<compile_context>
chip_gen: v7x
topology: tpu7x:2x2x1
jax: 0.10.2.dev20260603
libtpu: 0.0.44.dev20260713+nightly
codegen_flags: <defaults>
</compile_context>

<pallas_src>
import functools

import jax
import jax.numpy as jnp
from jax import lax
from jax.experimental import pallas as pl
from jax.experimental.pallas import tpu as pltpu
from jax.experimental.pallas import tpu_sc as plsc

D_MODEL = 64
NC = 2
NS = 16
NW = NC * NS

NB = 2
SPLITS = (0, 128)


def _body(l, bpw, blocks, x_hbm, table_hbm, out_hbm, idx_v, rows0, rows1,
          gsem0, gsem1, ssem0, ssem1):
    wid = lax.axis_index("s") * NC + lax.axis_index("c")
    b0 = wid * bpw
    rows = (rows0, rows1)
    gsem = (gsem0, gsem1)
    ssem = (ssem0, ssem1)
    widths = [SPLITS[i + 1] - SPLITS[i] if i + 1 < len(SPLITS) else l - SPLITS[i]
              for i in range(len(SPLITS))]

    pltpu.sync_copy(x_hbm.at[pl.ds(b0, bpw)], idx_v)

    def gather_copies(g, p):
        return [
            pltpu.make_async_copy(
                table_hbm.at[idx_v.at[g * NB + i, pl.ds(s, w)]],
                rows[p].at[pl.ds(i * l + s, w)],
                gsem[p],
            )
            for i in range(NB)
            for s, w in zip(SPLITS, widths)
        ]

    def fire_gathers(g, p):
        for c in gather_copies(g, p):
            c.start()

    def wait_gathers(g, p):
        for c in gather_copies(g, p):
            c.wait()

    def store_copy(g, p):
        return pltpu.make_async_copy(
            rows[p],
            out_hbm.at[pl.ds((b0 + g * NB) * l, NB * l), pl.ds(0, D_MODEL)],
            ssem[p],
        )

    fire_gathers(0, 0)
    fire_gathers(1, 1)
    wait_gathers(0, 0)
    store_copy(0, 0).start()

    @pl.loop(1, blocks - 1, step=2)
    def _(g0):
        for b in range(2):
            g = g0 + b
            p = (1 + b) % 2
            np_ = b % 2
            store_copy(g - 1, np_).wait()
            fire_gathers(g + 1, np_)
            wait_gathers(g, p)
            store_copy(g, p).start()

    last = blocks - 1
    wait_gathers(last, last % 2)
    store_copy(last, last % 2).start()
    store_copy(last - 1, (last - 1) % 2).wait()
    store_copy(last, last % 2).wait()


@jax.jit
def kernel(x, table):
    b, l = x.shape
    assert b % (NW * NB) == 0
    bpw = b // NW
    blocks = bpw // NB
    assert blocks % 2 == 0
    xi = x.astype(jnp.int32) * 2
    v = table.shape[0]
    tpad = jnp.pad(table, ((0, 0), (0, 128 - D_MODEL)))
    tv = tpad.reshape(2 * v, D_MODEL)

    mesh = plsc.VectorSubcoreMesh(
        core_axis_name="c", subcore_axis_name="s", num_cores=NC, num_subcores=NS
    )
    out = pl.kernel(
        functools.partial(_body, l, bpw, blocks),
        out_type=jax.ShapeDtypeStruct((b * l, 128), jnp.float32),
        mesh=mesh,
        scratch_types=[
            pltpu.VMEM((b // NW, l), jnp.int32),
            pltpu.VMEM((NB * l, D_MODEL), jnp.float32),
            pltpu.VMEM((NB * l, D_MODEL), jnp.float32),
            pltpu.SemaphoreType.DMA,
            pltpu.SemaphoreType.DMA,
            pltpu.SemaphoreType.DMA,
            pltpu.SemaphoreType.DMA,
        ],
        compiler_params=pltpu.CompilerParams(use_tc_tiling_on_sc=False),
    )(xi, tv)
    return out[:, :D_MODEL].reshape(b, l, D_MODEL)

# --- scband reference (transcript-rebuilt; emitter-appended) ---
"""Pipeline reference for scband-embedding-33139967656472 (READ-ONLY COPY).

The authoritative reference and input builder live on the scoring server;
editing this copy changes nothing except your own understanding.
"""

import jax, jax.numpy as jnp
import numpy as np

VOCAB = 1000000
D_MODEL = 64
B = 4096
L = 200

def setup_inputs(seed: int = 0) -> dict:
    key = jax.random.key(seed)
    k1, k2 = jax.random.split(key)
    x = jax.random.randint(k1, (B, L), 0, VOCAB, dtype=jnp.int64) if jax.config.jax_enable_x64 else jax.random.randint(k1, (B, L), 0, VOCAB, dtype=jnp.int32)
    table = jax.random.normal(k2, (VOCAB, D_MODEL), dtype=jnp.float32)
    return {"x": x, "table": table}

def reference(x, table):
    # nn.Embedding lookup; dropout is identity in eval mode
    embedd = jnp.take(table, x, axis=0)
    return embedd

if __name__ == "__main__":
    import jax
    _d = setup_inputs()
    print(jax.jit(kernel)(*tuple(_d.values())))

</pallas_src>

<mosaic_0001>
#map = affine_map<(d0, d1) -> (0, 0)>
module attributes {stable_mosaic.version = 14 : i64} {
  func.func @_body(%arg0: i32, %arg1: i32, %arg2: memref<4096x200xi32, #tpu.memory_space<hbm>>, %arg3: memref<2000000x64xf32, #tpu.memory_space<hbm>>, %arg4: memref<819200x128xf32, #tpu.memory_space<hbm>>, %arg5: memref<128x200xi32, #tpu.memory_space<vmem>>, %arg6: memref<400x64xf32, #tpu.memory_space<vmem>>, %arg7: memref<400x64xf32, #tpu.memory_space<vmem>>, %arg8: memref<!tpu.dma_semaphore, #tpu.memory_space<semaphore_mem>>, %arg9: memref<!tpu.dma_semaphore, #tpu.memory_space<semaphore_mem>>, %arg10: memref<!tpu.dma_semaphore, #tpu.memory_space<semaphore_mem>>, %arg11: memref<!tpu.dma_semaphore, #tpu.memory_space<semaphore_mem>>) attributes {dimension_semantics = [#tpu.dimension_semantics<core_parallel>, #tpu.dimension_semantics<subcore_parallel>], iteration_bounds = array<i64: 2, 16>, scalar_prefetch = 0 : i64, scratch_operands = 7 : i64, tpu.core_type = #tpu.core_type<sc_vector_subcore>, window_params = [{transform_indices = #map}, {transform_indices = #map}, {transform_indices = #map}]} {
    %mul3A = arith.constant 2 : i32
    %mul3A_0 = arith.muli %arg1, %mul3A : i32
    %add3A = arith.addi %mul3A_0, %arg0 : i32
    %mul3A_1 = arith.constant 128 : i32
    %mul3A_2 = arith.muli %add3A, %mul3A_1 : i32
    "tpu.region"() ({
      %run_scoped3A = tpu.sem_alloc : memref<!tpu.dma_semaphore, #tpu.memory_space<semaphore_mem>>
      %dma_start3A_197 = arith.constant 0 : i32
      %dma_start3A_198 = tpu.memref_slice %arg2[%mul3A_2, %dma_start3A_197] : memref<4096x200xi32, #tpu.memory_space<hbm>> -> memref<128x200xi32, #tpu.memory_space<hbm>>
      %dma_start3A_199 = arith.constant 0 : i32
      %dma_start3A_200 = tpu.memref_slice %arg2[%mul3A_2, %dma_start3A_199] : memref<4096x200xi32, #tpu.memory_space<hbm>> -> memref<128x200xi32, #tpu.memory_space<hbm>>
      tpu.enqueue_dma source(%dma_start3A_200 : memref<128x200xi32, #tpu.memory_space<hbm>>) target(%arg5 : memref<128x200xi32, #tpu.memory_space<vmem>>) target_semaphore(%run_scoped3A : memref<!tpu.dma_semaphore, #tpu.memory_space<semaphore_mem>>)
      %dma_wait3A_201 = arith.constant 0 : i32
      %dma_wait3A_202 = tpu.memref_slice %arg2[%mul3A_2, %dma_wait3A_201] : memref<4096x200xi32, #tpu.memory_space<hbm>> -> memref<128x200xi32, #tpu.memory_space<hbm>>
      %dma_wait3A_203 = arith.constant 0 : i32
      %dma_wait3A_204 = tpu.memref_slice %arg2[%mul3A_2, %dma_wait3A_203] : memref<4096x200xi32, #tpu.memory_space<hbm>> -> memref<128x200xi32, #tpu.memory_space<hbm>>
      tpu.wait_dma2 semaphore(%run_scoped3A : memref<!tpu.dma_semaphore, #tpu.memory_space<semaphore_mem>>) src(%dma_wait3A_204 : memref<128x200xi32, #tpu.memory_space<hbm>>) dst(%arg5 : memref<128x200xi32, #tpu.memory_space<vmem>>)
      tpu.yield
    }) : () -> ()
    %dma_start3A = arith.constant 0 : i32
    %dma_start3A_3 = arith.constant 0 : i32
    %dma_start3A_4 = arith.constant 0 : i32
    %dma_start3A_5 = tpu.memref_slice %arg6[%dma_start3A_3, %dma_start3A_4] : memref<400x64xf32, #tpu.memory_space<vmem>> -> memref<128x64xf32, #tpu.memory_space<vmem>>
    %dma_start3A_6 = arith.constant 0 : i32
    %dma_start3A_7 = tpu.memref_slice %arg5[%dma_start3A, %dma_start3A_6] : memref<128x200xi32, #tpu.memory_space<vmem>> -> memref<1x128xi32, #tpu.memory_space<vmem>>
    %dma_start3A_8 = tpu.memref_squeeze %dma_start3A_7 : memref<1x128xi32, #tpu.memory_space<vmem>> -> memref<128xi32, #tpu.memory_space<vmem>>
    %dma_start3A_9 = arith.constant 0 : i32
    %dma_start3A_10 = arith.constant 0 : i32
    %dma_start3A_11 = tpu.memref_slice %arg3[%dma_start3A_9, %dma_start3A_10] : memref<2000000x64xf32, #tpu.memory_space<hbm>> -> memref<2000000x64xf32, #tpu.memory_space<hbm>>
    tpu.enqueue_indirect_dma source(%dma_start3A_11 : memref<2000000x64xf32, #tpu.memory_space<hbm>>) target(%dma_start3A_5 : memref<128x64xf32, #tpu.memory_space<vmem>>) offsets(%dma_start3A_8 : memref<128xi32, #tpu.memory_space<vmem>>) semaphore(%arg8 : memref<!tpu.dma_semaphore, #tpu.memory_space<semaphore_mem>>)
    %dma_start3A_12 = arith.constant 0 : i32
    %dma_start3A_13 = arith.constant 128 : i32
    %dma_start3A_14 = arith.constant 0 : i32
    %dma_start3A_15 = tpu.memref_slice %arg6[%dma_start3A_13, %dma_start3A_14] : memref<400x64xf32, #tpu.memory_space<vmem>> -> memref<72x64xf32, #tpu.memory_space<vmem>>
    %dma_start3A_16 = arith.constant 128 : i32
    %dma_start3A_17 = tpu.memref_slice %arg5[%dma_start3A_12, %dma_start3A_16] : memref<128x200xi32, #tpu.memory_space<vmem>> -> memref<1x72xi32, #tpu.memory_space<vmem>>
    %dma_start3A_18 = tpu.memref_squeeze %dma_start3A_17 : memref<1x72xi32, #tpu.memory_space<vmem>> -> memref<72xi32, #tpu.memory_space<vmem>>
    %dma_start3A_19 = arith.constant 0 : i32
    %dma_start3A_20 = arith.constant 0 : i32
    %dma_start3A_21 = tpu.memref_slice %arg3[%dma_start3A_19, %dma_start3A_20] : memref<2000000x64xf32, #tpu.memory_space<hbm>> -> memref<2000000x64xf32, #tpu.memory_space<hbm>>
    tpu.enqueue_indirect_dma source(%dma_start3A_21 : memref<2000000x64xf32, #tpu.memory_space<hbm>>) target(%dma_start3A_15 : memref<72x64xf32, #tpu.memory_space<vmem>>) offsets(%dma_start3A_18 : memref<72xi32, #tpu.memory_space<vmem>>) semaphore(%arg8 : memref<!tpu.dma_semaphore, #tpu.memory_space<semaphore_mem>>)
    %dma_start3A_22 = arith.constant 1 : i32
    %dma_start3A_23 = arith.constant 200 : i32
    %dma_start3A_24 = arith.constant 0 : i32
    %dma_start3A_25 = tpu.memref_slice %arg6[%dma_start3A_23, %dma_start3A_24] : memref<400x64xf32, #tpu.memory_space<vmem>> -> memref<128x64xf32, #tpu.memory_space<vmem>>
    %dma_start3A_26 = arith.constant 0 : i32
    %dma_start3A_27 = tpu.memref_slice %arg5[%dma_start3A_22, %dma_start3A_26] : memref<128x200xi32, #tpu.memory_space<vmem>> -> memref<1x128xi32, #tpu.memory_space<vmem>>
    %dma_start3A_28 = tpu.memref_squeeze %dma_start3A_27 : memref<1x128xi32, #tpu.memory_space<vmem>> -> memref<128xi32, #tpu.memory_space<vmem>>
    %dma_start3A_29 = arith.constant 0 : i32
    %dma_start3A_30 = arith.constant 0 : i32
    %dma_start3A_31 = tpu.memref_slice %arg3[%dma_start3A_29, %dma_start3A_30] : memref<2000000x64xf32, #tpu.memory_space<hbm>> -> memref<2000000x64xf32, #tpu.memory_space<hbm>>
    tpu.enqueue_indirect_dma source(%dma_start3A_31 : memref<2000000x64xf32, #tpu.memory_space<hbm>>) target(%dma_start3A_25 : memref<128x64xf32, #tpu.memory_space<vmem>>) offsets(%dma_start3A_28 : memref<128xi32, #tpu.memory_space<vmem>>) semaphore(%arg8 : memref<!tpu.dma_semaphore, #tpu.memory_space<semaphore_mem>>)
    %dma_start3A_32 = arith.constant 1 : i32
    %dma_start3A_33 = arith.constant 328 : i32
    %dma_start3A_34 = arith.constant 0 : i32
    %dma_start3A_35 = tpu.memref_slice %arg6[%dma_start3A_33, %dma_start3A_34] : memref<400x64xf32, #tpu.memory_space<vmem>> -> memref<72x64xf32, #tpu.memory_space<vmem>>
    %dma_start3A_36 = arith.constant 128 : i32
    %dma_start3A_37 = tpu.memref_slice %arg5[%dma_start3A_32, %dma_start3A_36] : memref<128x200xi32, #tpu.memory_space<vmem>> -> memref<1x72xi32, #tpu.memory_space<vmem>>
    %dma_start3A_38 = tpu.memref_squeeze %dma_start3A_37 : memref<1x72xi32, #tpu.memory_space<vmem>> -> memref<72xi32, #tpu.memory_space<vmem>>
    %dma_start3A_39 = arith.constant 0 : i32
    %dma_start3A_40 = arith.constant 0 : i32
    %dma_start3A_41 = tpu.memref_slice %arg3[%dma_start3A_39, %dma_start3A_40] : memref<2000000x64xf32, #tpu.memory_space<hbm>> -> memref<2000000x64xf32, #tpu.memory_space<hbm>>
    tpu.enqueue_indirect_dma source(%dma_start3A_41 : memref<2000000x64xf32, #tpu.memory_space<hbm>>) target(%dma_start3A_35 : memref<72x64xf32, #tpu.memory_space<vmem>>) offsets(%dma_start3A_38 : memref<72xi32, #tpu.memory_space<vmem>>) semaphore(%arg8 : memref<!tpu.dma_semaphore, #tpu.memory_space<semaphore_mem>>)
    %dma_start3A_42 = arith.constant 2 : i32
    %dma_start3A_43 = arith.constant 0 : i32
    %dma_start3A_44 = arith.constant 0 : i32
    %dma_start3A_45 = tpu.memref_slice %arg7[%dma_start3A_43, %dma_start3A_44] : memref<400x64xf32, #tpu.memory_space<vmem>> -> memref<128x64xf32, #tpu.memory_space<vmem>>
    %dma_start3A_46 = arith.constant 0 : i32
    %dma_start3A_47 = tpu.memref_slice %arg5[%dma_start3A_42, %dma_start3A_46] : memref<128x200xi32, #tpu.memory_space<vmem>> -> memref<1x128xi32, #tpu.memory_space<vmem>>
    %dma_start3A_48 = tpu.memref_squeeze %dma_start3A_47 : memref<1x128xi32, #tpu.memory_space<vmem>> -> memref<128xi32, #tpu.memory_space<vmem>>
    %dma_start3A_49 = arith.constant 0 : i32
    %dma_start3A_50 = arith.constant 0 : i32
    %dma_start3A_51 = tpu.memref_slice %arg3[%dma_start3A_49, %dma_start3A_50] : memref<2000000x64xf32, #tpu.memory_space<hbm>> -> memref<2000000x64xf32, #tpu.memory_space<hbm>>
    tpu.enqueue_indirect_dma source(%dma_start3A_51 : memref<2000000x64xf32, #tpu.memory_space<hbm>>) target(%dma_start3A_45 : memref<128x64xf32, #tpu.memory_space<vmem>>) offsets(%dma_start3A_48 : memref<128xi32, #tpu.memory_space<vmem>>) semaphore(%arg9 : memref<!tpu.dma_semaphore, #tpu.memory_space<semaphore_mem>>)
    %dma_start3A_52 = arith.constant 2 : i32
    %dma_start3A_53 = arith.constant 128 : i32
    %dma_start3A_54 = arith.constant 0 : i32
    %dma_start3A_55 = tpu.memref_slice %arg7[%dma_start3A_53, %dma_start3A_54] : memref<400x64xf32, #tpu.memory_space<vmem>> -> memref<72x64xf32, #tpu.memory_space<vmem>>
    %dma_start3A_56 = arith.constant 128 : i32
    %dma_start3A_57 = tpu.memref_slice %arg5[%dma_start3A_52, %dma_start3A_56] : memref<128x200xi32, #tpu.memory_space<vmem>> -> memref<1x72xi32, #tpu.memory_space<vmem>>
    %dma_start3A_58 = tpu.memref_squeeze %dma_start3A_57 : memref<1x72xi32, #tpu.memory_space<vmem>> -> memref<72xi32, #tpu.memory_space<vmem>>
    %dma_start3A_59 = arith.constant 0 : i32
    %dma_start3A_60 = arith.constant 0 : i32
    %dma_start3A_61 = tpu.memref_slice %arg3[%dma_start3A_59, %dma_start3A_60] : memref<2000000x64xf32, #tpu.memory_space<hbm>> -> memref<2000000x64xf32, #tpu.memory_space<hbm>>
    tpu.enqueue_indirect_dma source(%dma_start3A_61 : memref<2000000x64xf32, #tpu.memory_space<hbm>>) target(%dma_start3A_55 : memref<72x64xf32, #tpu.memory_space<vmem>>) offsets(%dma_start3A_58 : memref<72xi32, #tpu.memory_space<vmem>>) semaphore(%arg9 : memref<!tpu.dma_semaphore, #tpu.memory_space<semaphore_mem>>)
    %dma_start3A_62 = arith.constant 3 : i32
    %dma_start3A_63 = arith.constant 200 : i32
    %dma_start3A_64 = arith.constant 0 : i32
    %dma_start3A_65 = tpu.memref_slice %arg7[%dma_start3A_63, %dma_start3A_64] : memref<400x64xf32, #tpu.memory_space<vmem>> -> memref<128x64xf32, #tpu.memory_space<vmem>>
    %dma_start3A_66 = arith.constant 0 : i32
    %dma_start3A_67 = tpu.memref_slice %arg5[%dma_start3A_62, %dma_start3A_66] : memref<128x200xi32, #tpu.memory_space<vmem>> -> memref<1x128xi32, #tpu.memory_space<vmem>>
    %dma_start3A_68 = tpu.memref_squeeze %dma_start3A_67 : memref<1x128xi32, #tpu.memory_space<vmem>> -> memref<128xi32, #tpu.memory_space<vmem>>
    %dma_start3A_69 = arith.constant 0 : i32
    %dma_start3A_70 = arith.constant 0 : i32
    %dma_start3A_71 = tpu.memref_slice %arg3[%dma_start3A_69, %dma_start3A_70] : memref<2000000x64xf32, #tpu.memory_space<hbm>> -> memref<2000000x64xf32, #tpu.memory_space<hbm>>
    tpu.enqueue_indirect_dma source(%dma_start3A_71 : memref<2000000x64xf32, #tpu.memory_space<hbm>>) target(%dma_start3A_65 : memref<128x64xf32, #tpu.memory_space<vmem>>) offsets(%dma_start3A_68 : memref<128xi32, #tpu.memory_space<vmem>>) semaphore(%arg9 : memref<!tpu.dma_semaphore, #tpu.memory_space<semaphore_mem>>)
    %dma_start3A_72 = arith.constant 3 : i32
    %dma_start3A_73 = arith.constant 328 : i32
    %dma_start3A_74 = arith.constant 0 : i32
    %dma_start3A_75 = tpu.memref_slice %arg7[%dma_start3A_73, %dma_start3A_74] : memref<400x64xf32, #tpu.memory_space<vmem>> -> memref<72x64xf32, #tpu.memory_space<vmem>>
    %dma_start3A_76 = arith.constant 128 : i32
    %dma_start3A_77 = tpu.memref_slice %arg5[%dma_start3A_72, %dma_start3A_76] : memref<128x200xi32, #tpu.memory_space<vmem>> -> memref<1x72xi32, #tpu.memory_space<vmem>>
    %dma_start3A_78 = tpu.memref_squeeze %dma_start3A_77 : memref<1x72xi32, #tpu.memory_space<vmem>> -> memref<72xi32, #tpu.memory_space<vmem>>
    %dma_start3A_79 = arith.constant 0 : i32
    %dma_start3A_80 = arith.constant 0 : i32
    %dma_start3A_81 = tpu.memref_slice %arg3[%dma_start3A_79, %dma_start3A_80] : memref<2000000x64xf32, #tpu.memory_space<hbm>> -> memref<2000000x64xf32, #tpu.memory_space<hbm>>
    tpu.enqueue_indirect_dma source(%dma_start3A_81 : memref<2000000x64xf32, #tpu.memory_space<hbm>>) target(%dma_start3A_75 : memref<72x64xf32, #tpu.memory_space<vmem>>) offsets(%dma_start3A_78 : memref<72xi32, #tpu.memory_space<vmem>>) semaphore(%arg9 : memref<!tpu.dma_semaphore, #tpu.memory_space<semaphore_mem>>)
    %dma_wait3A = arith.constant 0 : i32
    %dma_wait3A_82 = arith.constant 0 : i32
    %dma_wait3A_83 = arith.constant 0 : i32
    %dma_wait3A_84 = tpu.memref_slice %arg6[%dma_wait3A_82, %dma_wait3A_83] : memref<400x64xf32, #tpu.memory_space<vmem>> -> memref<128x64xf32, #tpu.memory_space<vmem>>
    %dma_wait3A_85 = arith.constant 0 : i32
    %dma_wait3A_86 = tpu.memref_slice %arg5[%dma_wait3A, %dma_wait3A_85] : memref<128x200xi32, #tpu.memory_space<vmem>> -> memref<1x128xi32, #tpu.memory_space<vmem>>
    %dma_wait3A_87 = tpu.memref_squeeze %dma_wait3A_86 : memref<1x128xi32, #tpu.memory_space<vmem>> -> memref<128xi32, #tpu.memory_space<vmem>>
    %dma_wait3A_88 = arith.constant 0 : i32
    %dma_wait3A_89 = arith.constant 0 : i32
    %dma_wait3A_90 = tpu.memref_slice %arg3[%dma_wait3A_88, %dma_wait3A_89] : memref<2000000x64xf32, #tpu.memory_space<hbm>> -> memref<2000000x64xf32, #tpu.memory_space<hbm>>
    tpu.wait_indirect_dma semaphore(%arg8 : memref<!tpu.dma_semaphore, #tpu.memory_space<semaphore_mem>>) src(%dma_wait3A_90 : memref<2000000x64xf32, #tpu.memory_space<hbm>>) dst(%dma_wait3A_84 : memref<128x64xf32, #tpu.memory_space<vmem>>)
    %dma_wait3A_91 = arith.constant 0 : i32
    %dma_wait3A_92 = arith.constant 128 : i32
    %dma_wait3A_93 = arith.constant 0 : i32
    %dma_wait3A_94 = tpu.memref_slice %arg6[%dma_wait3A_92, %dma_wait3A_93] : memref<400x64xf32, #tpu.memory_space<vmem>> -> memref<72x64xf32, #tpu.memory_space<vmem>>
    %dma_wait3A_95 = arith.constant 128 : i32
    %dma_wait3A_96 = tpu.memref_slice %arg5[%dma_wait3A_91, %dma_wait3A_95] : memref<128x200xi32, #tpu.memory_space<vmem>> -> memref<1x72xi32, #tpu.memory_space<vmem>>
    %dma_wait3A_97 = tpu.memref_squeeze %dma_wait3A_96 : memref<1x72xi32, #tpu.memory_space<vmem>> -> memref<72xi32, #tpu.memory_space<vmem>>
    %dma_wait3A_98 = arith.constant 0 : i32
    %dma_wait3A_99 = arith.constant 0 : i32
    %dma_wait3A_100 = tpu.memref_slice %arg3[%dma_wait3A_98, %dma_wait3A_99] : memref<2000000x64xf32, #tpu.memory_space<hbm>> -> memref<2000000x64xf32, #tpu.memory_space<hbm>>
    tpu.wait_indirect_dma semaphore(%arg8 : memref<!tpu.dma_semaphore, #tpu.memory_space<semaphore_mem>>) src(%dma_wait3A_100 : memref<2000000x64xf32, #tpu.memory_space<hbm>>) dst(%dma_wait3A_94 : memref<72x64xf32, #tpu.memory_space<vmem>>)
    %dma_wait3A_101 = arith.constant 1 : i32
    %dma_wait3A_102 = arith.constant 200 : i32
    %dma_wait3A_103 = arith.constant 0 : i32
    %dma_wait3A_104 = tpu.memref_slice %arg6[%dma_wait3A_102, %dma_wait3A_103] : memref<400x64xf32, #tpu.memory_space<vmem>> -> memref<128x64xf32, #tpu.memory_space<vmem>>
    %dma_wait3A_105 = arith.constant 0 : i32
    %dma_wait3A_106 = tpu.memref_slice %arg5[%dma_wait3A_101, %dma_wait3A_105] : memref<128x200xi32, #tpu.memory_space<vmem>> -> memref<1x128xi32, #tpu.memory_space<vmem>>
    %dma_wait3A_107 = tpu.memref_squeeze %dma_wait3A_106 : memref<1x128xi32, #tpu.memory_space<vmem>> -> memref<128xi32, #tpu.memory_space<vmem>>
    %dma_wait3A_108 = arith.constant 0 : i32
    %dma_wait3A_109 = arith.constant 0 : i32
    %dma_wait3A_110 = tpu.memref_slice %arg3[%dma_wait3A_108, %dma_wait3A_109] : memref<2000000x64xf32, #tpu.memory_space<hbm>> -> memref<2000000x64xf32, #tpu.memory_space<hbm>>
    tpu.wait_indirect_dma semaphore(%arg8 : memref<!tpu.dma_semaphore, #tpu.memory_space<semaphore_mem>>) src(%dma_wait3A_110 : memref<2000000x64xf32, #tpu.memory_space<hbm>>) dst(%dma_wait3A_104 : memref<128x64xf32, #tpu.memory_space<vmem>>)
    %dma_wait3A_111 = arith.constant 1 : i32
    %dma_wait3A_112 = arith.constant 328 : i32
    %dma_wait3A_113 = arith.constant 0 : i32
    %dma_wait3A_114 = tpu.memref_slice %arg6[%dma_wait3A_112, %dma_wait3A_113] : memref<400x64xf32, #tpu.memory_space<vmem>> -> memref<72x64xf32, #tpu.memory_space<vmem>>
    %dma_wait3A_115 = arith.constant 128 : i32
    %dma_wait3A_116 = tpu.memref_slice %arg5[%dma_wait3A_111, %dma_wait3A_115] : memref<128x200xi32, #tpu.memory_space<vmem>> -> memref<1x72xi32, #tpu.memory_space<vmem>>
    %dma_wait3A_117 = tpu.memref_squeeze %dma_wait3A_116 : memref<1x72xi32, #tpu.memory_space<vmem>> -> memref<72xi32, #tpu.memory_space<vmem>>
    %dma_wait3A_118 = arith.constant 0 : i32
    %dma_wait3A_119 = arith.constant 0 : i32
    %dma_wait3A_120 = tpu.memref_slice %arg3[%dma_wait3A_118, %dma_wait3A_119] : memref<2000000x64xf32, #tpu.memory_space<hbm>> -> memref<2000000x64xf32, #tpu.memory_space<hbm>>
    tpu.wait_indirect_dma semaphore(%arg8 : memref<!tpu.dma_semaphore, #tpu.memory_space<semaphore_mem>>) src(%dma_wait3A_120 : memref<2000000x64xf32, #tpu.memory_space<hbm>>) dst(%dma_wait3A_114 : memref<72x64xf32, #tpu.memory_space<vmem>>)
    %add3A_121 = arith.constant 0 : i32
    %add3A_122 = arith.addi %mul3A_2, %add3A_121 : i32
    %mul3A_123 = arith.constant 200 : i32
    %mul3A_124 = arith.muli %add3A_122, %mul3A_123 : i32
    %dma_start3A_125 = arith.constant 0 : i32
    %dma_start3A_126 = tpu.memref_slice %arg4[%mul3A_124, %dma_start3A_125] : memref<819200x128xf32, #tpu.memory_space<hbm>> -> memref<400x64xf32, #tpu.memory_space<hbm>>
    %dma_start3A_127 = arith.constant 0 : i32
    %dma_start3A_128 = tpu.memref_slice %arg4[%mul3A_124, %dma_start3A_127] : memref<819200x128xf32, #tpu.memory_space<hbm>> -> memref<400x64xf32, #tpu.memory_space<hbm>>
    tpu.enqueue_dma source(%arg6 : memref<400x64xf32, #tpu.memory_space<vmem>>) target(%dma_start3A_128 : memref<400x64xf32, #tpu.memory_space<hbm>>) target_semaphore(%arg10 : memref<!tpu.dma_semaphore, #tpu.memory_space<semaphore_mem>>)
    %scan3A = arith.constant 0 : i32
    %scan3A_129 = arith.constant 31 : i32
    %scan3A_130 = arith.addi %scan3A, %scan3A_129 : i32
    %scan3A_131 = arith.constant 1 : i32
    scf.for %scan3A_197 = %scan3A to %scan3A_130 step %scan3A_131  : i32 {
      %mul3A_198 = arith.constant 2 : i32
      %mul3A_199 = arith.muli %scan3A_197, %mul3A_198 : i32
      %add3A_200 = arith.constant 1 : i32
      %add3A_201 = arith.addi %add3A_200, %mul3A_199 : i32
      %add3A_202 = arith.constant 0 : i32
      %add3A_203 = arith.addi %add3A_201, %add3A_202 : i32
      %sub3A = arith.constant 1 : i32
      %sub3A_204 = arith.subi %add3A_203, %sub3A : i32
      %mul3A_205 = arith.constant 2 : i32
      %mul3A_206 = arith.muli %sub3A_204, %mul3A_205 : i32
      %add3A_207 = arith.addi %mul3A_2, %mul3A_206 : i32
      %mul3A_208 = arith.constant 200 : i32
      %mul3A_209 = arith.muli %add3A_207, %mul3A_208 : i32
      %dma_wait3A_210 = arith.constant 0 : i32
      %dma_wait3A_211 = tpu.memref_slice %arg4[%mul3A_209, %dma_wait3A_210] : memref<819200x128xf32, #tpu.memory_space<hbm>> -> memref<400x64xf32, #tpu.memory_space<hbm>>
      %dma_wait3A_212 = arith.constant 0 : i32
      %dma_wait3A_213 = tpu.memref_slice %arg4[%mul3A_209, %dma_wait3A_212] : memref<819200x128xf32, #tpu.memory_space<hbm>> -> memref<400x64xf32, #tpu.memory_space<hbm>>
      tpu.wait_dma2 semaphore(%arg10 : memref<!tpu.dma_semaphore, #tpu.memory_space<semaphore_mem>>) src(%arg6 : memref<400x64xf32, #tpu.memory_space<vmem>>) dst(%dma_wait3A_213 : memref<400x64xf32, #tpu.memory_space<hbm>>)
      %add3A_214 = arith.constant 1 : i32
      %add3A_215 = arith.addi %add3A_203, %add3A_214 : i32
      %mul3A_216 = arith.constant 2 : i32
      %mul3A_217 = arith.muli %add3A_215, %mul3A_216 : i32
      %add3A_218 = arith.constant 0 : i32
      %add3A_219 = arith.addi %mul3A_217, %add3A_218 : i32
      %mul3A_220 = arith.constant 2 : i32
      %mul3A_221 = arith.muli %add3A_215, %mul3A_220 : i32
      %add3A_222 = arith.constant 0 : i32
      %add3A_223 = arith.addi %mul3A_221, %add3A_222 : i32
      %mul3A_224 = arith.constant 2 : i32
      %mul3A_225 = arith.muli %add3A_215, %mul3A_224 : i32
      %add3A_226 = arith.constant 1 : i32
      %add3A_227 = arith.addi %mul3A_225, %add3A_226 : i32
      %mul3A_228 = arith.constant 2 : i32
      %mul3A_229 = arith.muli %add3A_215, %mul3A_228 : i32
      %add3A_230 = arith.constant 1 : i32
      %add3A_231 = arith.addi %mul3A_229, %add3A_230 : i32
      %dma_start3A_232 = arith.constant 0 : i32
      %dma_start3A_233 = arith.constant 0 : i32
      %dma_start3A_234 = tpu.memref_slice %arg6[%dma_start3A_232, %dma_start3A_233] : memref<400x64xf32, #tpu.memory_space<vmem>> -> memref<128x64xf32, #tpu.memory_space<vmem>>
      %dma_start3A_235 = arith.constant 0 : i32
      %dma_start3A_236 = tpu.memref_slice %arg5[%add3A_219, %dma_start3A_235] : memref<128x200xi32, #tpu.memory_space<vmem>> -> memref<1x128xi32, #tpu.memory_space<vmem>>
      %dma_start3A_237 = tpu.memref_squeeze %dma_start3A_236 : memref<1x128xi32, #tpu.memory_space<vmem>> -> memref<128xi32, #tpu.memory_space<vmem>>
      %dma_start3A_238 = arith.constant 0 : i32
      %dma_start3A_239 = arith.constant 0 : i32
      %dma_start3A_240 = tpu.memref_slice %arg3[%dma_start3A_238, %dma_start3A_239] : memref<2000000x64xf32, #tpu.memory_space<hbm>> -> memref<2000000x64xf32, #tpu.memory_space<hbm>>
      tpu.enqueue_indirect_dma source(%dma_start3A_240 : memref<2000000x64xf32, #tpu.memory_space<hbm>>) target(%dma_start3A_234 : memref<128x64xf32, #tpu.memory_space<vmem>>) offsets(%dma_start3A_237 : memref<128xi32, #tpu.memory_space<vmem>>) semaphore(%arg8 : memref<!tpu.dma_semaphore, #tpu.memory_space<semaphore_mem>>)
      %dma_start3A_241 = arith.constant 128 : i32
      %dma_start3A_242 = arith.constant 0 : i32
      %dma_start3A_243 = tpu.memref_slice %arg6[%dma_start3A_241, %dma_start3A_242] : memref<400x64xf32, #tpu.memory_space<vmem>> -> memref<72x64xf32, #tpu.memory_space<vmem>>
      %dma_start3A_244 = arith.constant 128 : i32
      %dma_start3A_245 = tpu.memref_slice %arg5[%add3A_223, %dma_start3A_244] : memref<128x200xi32, #tpu.memory_space<vmem>> -> memref<1x72xi32, #tpu.memory_space<vmem>>
      %dma_start3A_246 = tpu.memref_squeeze %dma_start3A_245 : memref<1x72xi32, #tpu.memory_space<vmem>> -> memref<72xi32, #tpu.memory_space<vmem>>
      %dma_start3A_247 = arith.constant 0 : i32
      %dma_start3A_248 = arith.constant 0 : i32
      %dma_start3A_249 = tpu.memref_slice %arg3[%dma_start3A_247, %dma_start3A_248] : memref<2000000x64xf32, #tpu.memory_space<hbm>> -> memref<2000000x64xf32, #tpu.memory_space<hbm>>
      tpu.enqueue_indirect_dma source(%dma_start3A_249 : memref<2000000x64xf32, #tpu.memory_space<hbm>>) target(%dma_start3A_243 : memref<72x64xf32, #tpu.memory_space<vmem>>) offsets(%dma_start3A_246 : memref<72xi32, #tpu.memory_space<vmem>>) semaphore(%arg8 : memref<!tpu.dma_semaphore, #tpu.memory_space<semaphore_mem>>)
      %dma_start3A_250 = arith.constant 200 : i32
      %dma_start3A_251 = arith.constant 0 : i32
      %dma_start3A_252 = tpu.memref_slice %arg6[%dma_start3A_250, %dma_start3A_251] : memref<400x64xf32, #tpu.memory_space<vmem>> -> memref<128x64xf32, #tpu.memory_space<vmem>>
      %dma_start3A_253 = arith.constant 0 : i32
      %dma_start3A_254 = tpu.memref_slice %arg5[%add3A_227, %dma_start3A_253] : memref<128x200xi32, #tpu.memory_space<vmem>> -> memref<1x128xi32, #tpu.memory_space<vmem>>
      %dma_start3A_255 = tpu.memref_squeeze %dma_start3A_254 : memref<1x128xi32, #tpu.memory_space<vmem>> -> memref<128xi32, #tpu.memory_space<vmem>>
      %dma_start3A_256 = arith.constant 0 : i32
      %dma_start3A_257 = arith.constant 0 : i32
      %dma_start3A_258 = tpu.memref_slice %arg3[%dma_start3A_256, %dma_start3A_257] : memref<2000000x64xf32, #tpu.memory_space<hbm>> -> memref<2000000x64xf32, #tpu.memory_space<hbm>>
      tpu.enqueue_indirect_dma source(%dma_start3A_258 : memref<2000000x64xf32, #tpu.memory_space<hbm>>) target(%dma_start3A_252 : memref<128x64xf32, #tpu.memory_space<vmem>>) offsets(%dma_start3A_255 : memref<128xi32, #tpu.memory_space<vmem>>) semaphore(%arg8 : memref<!tpu.dma_semaphore, #tpu.memory_space<semaphore_mem>>)
      %dma_start3A_259 = arith.constant 328 : i32
      %dma_start3A_260 = arith.constant 0 : i32
      %dma_start3A_261 = tpu.memref_slice %arg6[%dma_start3A_259, %dma_start3A_260] : memref<400x64xf32, #tpu.memory_space<vmem>> -> memref<72x64xf32, #tpu.memory_space<vmem>>
      %dma_start3A_262 = arith.constant 128 : i32
      %dma_start3A_263 = tpu.memref_slice %arg5[%add3A_231, %dma_start3A_262] : memref<128x200xi32, #tpu.memory_space<vmem>> -> memref<1x72xi32, #tpu.memory_space<vmem>>
      %dma_start3A_264 = tpu.memref_squeeze %dma_start3A_263 : memref<1x72xi32, #tpu.memory_space<vmem>> -> memref<72xi32, #tpu.memory_space<vmem>>
      %dma_start3A_265 = arith.constant 0 : i32
      %dma_start3A_266 = arith.constant 0 : i32
      %dma_start3A_267 = tpu.memref_slice %arg3[%dma_start3A_265, %dma_start3A_266] : memref<2000000x64xf32, #tpu.memory_space<hbm>> -> memref<2000000x64xf32, #tpu.memory_space<hbm>>
      tpu.enqueue_indirect_dma source(%dma_start3A_267 : memref<2000000x64xf32, #tpu.memory_space<hbm>>) target(%dma_start3A_261 : memref<72x64xf32, #tpu.memory_space<vmem>>) offsets(%dma_start3A_264 : memref<72xi32, #tpu.memory_space<vmem>>) semaphore(%arg8 : memref<!tpu.dma_semaphore, #tpu.memory_space<semaphore_mem>>)
      %mul3A_268 = arith.constant 2 : i32
      %mul3A_269 = arith.muli %add3A_203, %mul3A_268 : i32
      %add3A_270 = arith.constant 0 : i32
      %add3A_271 = arith.addi %mul3A_269, %add3A_270 : i32
      %mul3A_272 = arith.constant 2 : i32
      %mul3A_273 = arith.muli %add3A_203, %mul3A_272 : i32
      %add3A_274 = arith.constant 0 : i32
      %add3A_275 = arith.addi %mul3A_273, %add3A_274 : i32
      %mul3A_276 = arith.constant 2 : i32
      %mul3A_277 = arith.muli %add3A_203, %mul3A_276 : i32
      %add3A_278 = arith.constant 1 : i32
      %add3A_279 = arith.addi %mul3A_277, %add3A_278 : i32
      %mul3A_280 = arith.constant 2 : i32
      %mul3A_281 = arith.muli %add3A_203, %mul3A_280 : i32
      %add3A_282 = arith.constant 1 : i32
      %add3A_283 = arith.addi %mul3A_281, %add3A_282 : i32
      %dma_wait3A_284 = arith.constant 0 : i32
      %dma_wait3A_285 = arith.constant 0 : i32
      %dma_wait3A_286 = tpu.memref_slice %arg7[%dma_wait3A_284, %dma_wait3A_285] : memref<400x64xf32, #tpu.memory_space<vmem>> -> memref<128x64xf32, #tpu.memory_space<vmem>>
      %dma_wait3A_287 = arith.constant 0 : i32
      %dma_wait3A_288 = tpu.memref_slice %arg5[%add3A_271, %dma_wait3A_287] : memref<128x200xi32, #tpu.memory_space<vmem>> -> memref<1x128xi32, #tpu.memory_space<vmem>>
      %dma_wait3A_289 = tpu.memref_squeeze %dma_wait3A_288 : memref<1x128xi32, #tpu.memory_space<vmem>> -> memref<128xi32, #tpu.memory_space<vmem>>
      %dma_wait3A_290 = arith.constant 0 : i32
      %dma_wait3A_291 = arith.constant 0 : i32
      %dma_wait3A_292 = tpu.memref_slice %arg3[%dma_wait3A_290, %dma_wait3A_291] : memref<2000000x64xf32, #tpu.memory_space<hbm>> -> memref<2000000x64xf32, #tpu.memory_space<hbm>>
      tpu.wait_indirect_dma semaphore(%arg9 : memref<!tpu.dma_semaphore, #tpu.memory_space<semaphore_mem>>) src(%dma_wait3A_292 : memref<2000000x64xf32, #tpu.memory_space<hbm>>) dst(%dma_wait3A_286 : memref<128x64xf32, #tpu.memory_space<vmem>>)
      %dma_wait3A_293 = arith.constant 128 : i32
      %dma_wait3A_294 = arith.constant 0 : i32
      %dma_wait3A_295 = tpu.memref_slice %arg7[%dma_wait3A_293, %dma_wait3A_294] : memref<400x64xf32, #tpu.memory_space<vmem>> -> memref<72x64xf32, #tpu.memory_space<vmem>>
      %dma_wait3A_296 = arith.constant 128 : i32
      %dma_wait3A_297 = tpu.memref_slice %arg5[%add3A_275, %dma_wait3A_296] : memref<128x200xi32, #tpu.memory_space<vmem>> -> memref<1x72xi32, #tpu.memory_space<vmem>>
      %dma_wait3A_298 = tpu.memref_squeeze %dma_wait3A_297 : memref<1x72xi32, #tpu.memory_space<vmem>> -> memref<72xi32, #tpu.memory_space<vmem>>
      %dma_wait3A_299 = arith.constant 0 : i32
      %dma_wait3A_300 = arith.constant 0 : i32
      %dma_wait3A_301 = tpu.memref_slice %arg3[%dma_wait3A_299, %dma_wait3A_300] : memref<2000000x64xf32, #tpu.memory_space<hbm>> -> memref<2000000x64xf32, #tpu.memory_space<hbm>>
      tpu.wait_indirect_dma semaphore(%arg9 : memref<!tpu.dma_semaphore, #tpu.memory_space<semaphore_mem>>) src(%dma_wait3A_301 : memref<2000000x64xf32, #tpu.memory_space<hbm>>) dst(%dma_wait3A_295 : memref<72x64xf32, #tpu.memory_space<vmem>>)
      %dma_wait3A_302 = arith.constant 200 : i32
      %dma_wait3A_303 = arith.constant 0 : i32
      %dma_wait3A_304 = tpu.memref_slice %arg7[%dma_wait3A_302, %dma_wait3A_303] : memref<400x64xf32, #tpu.memory_space<vmem>> -> memref<128x64xf32, #tpu.memory_space<vmem>>
      %dma_wait3A_305 = arith.constant 0 : i32
      %dma_wait3A_306 = tpu.memref_slice %arg5[%add3A_279, %dma_wait3A_305] : memref<128x200xi32, #tpu.memory_space<vmem>> -> memref<1x128xi32, #tpu.memory_space<vmem>>
      %dma_wait3A_307 = tpu.memref_squeeze %dma_wait3A_306 : memref<1x128xi32, #tpu.memory_space<vmem>> -> memref<128xi32, #tpu.memory_space<vmem>>
      %dma_wait3A_308 = arith.constant 0 : i32
      %dma_wait3A_309 = arith.constant 0 : i32
      %dma_wait3A_310 = tpu.memref_slice %arg3[%dma_wait3A_308, %dma_wait3A_309] : memref<2000000x64xf32, #tpu.memory_space<hbm>> -> memref<2000000x64xf32, #tpu.memory_space<hbm>>
      tpu.wait_indirect_dma semaphore(%arg9 : memref<!tpu.dma_semaphore, #tpu.memory_space<semaphore_mem>>) src(%dma_wait3A_310 : memref<2000000x64xf32, #tpu.memory_space<hbm>>) dst(%dma_wait3A_304 : memref<128x64xf32, #tpu.memory_space<vmem>>)
      %dma_wait3A_311 = arith.constant 328 : i32
      %dma_wait3A_312 = arith.constant 0 : i32
      %dma_wait3A_313 = tpu.memref_slice %arg7[%dma_wait3A_311, %dma_wait3A_312] : memref<400x64xf32, #tpu.memory_space<vmem>> -> memref<72x64xf32, #tpu.memory_space<vmem>>
      %dma_wait3A_314 = arith.constant 128 : i32
      %dma_wait3A_315 = tpu.memref_slice %arg5[%add3A_283, %dma_wait3A_314] : memref<128x200xi32, #tpu.memory_space<vmem>> -> memref<1x72xi32, #tpu.memory_space<vmem>>
      %dma_wait3A_316 = tpu.memref_squeeze %dma_wait3A_315 : memref<1x72xi32, #tpu.memory_space<vmem>> -> memref<72xi32, #tpu.memory_space<vmem>>
      %dma_wait3A_317 = arith.constant 0 : i32
      %dma_wait3A_318 = arith.constant 0 : i32
      %dma_wait3A_319 = tpu.memref_slice %arg3[%dma_wait3A_317, %dma_wait3A_318] : memref<2000000x64xf32, #tpu.memory_space<hbm>> -> memref<2000000x64xf32, #tpu.memory_space<hbm>>
      tpu.wait_indirect_dma semaphore(%arg9 : memref<!tpu.dma_semaphore, #tpu.memory_space<semaphore_mem>>) src(%dma_wait3A_319 : memref<2000000x64xf32, #tpu.memory_space<hbm>>) dst(%dma_wait3A_313 : memref<72x64xf32, #tpu.memory_space<vmem>>)
      %mul3A_320 = arith.constant 2 : i32
      %mul3A_321 = arith.muli %add3A_203, %mul3A_320 : i32
      %add3A_322 = arith.addi %mul3A_2, %mul3A_321 : i32
      %mul3A_323 = arith.constant 200 : i32
      %mul3A_324 = arith.muli %add3A_322, %mul3A_323 : i32
      %dma_start3A_325 = arith.constant 0 : i32
      %dma_start3A_326 = tpu.memref_slice %arg4[%mul3A_324, %dma_start3A_325] : memref<819200x128xf32, #tpu.memory_space<hbm>> -> memref<400x64xf32, #tpu.memory_space<hbm>>
      %dma_start3A_327 = arith.constant 0 : i32
      %dma_start3A_328 = tpu.memref_slice %arg4[%mul3A_324, %dma_start3A_327] : memref<819200x128xf32, #tpu.memory_space<hbm>> -> memref<400x64xf32, #tpu.memory_space<hbm>>
      tpu.enqueue_dma source(%arg7 : memref<400x64xf32, #tpu.memory_space<vmem>>) target(%dma_start3A_328 : memref<400x64xf32, #tpu.memory_space<hbm>>) target_semaphore(%arg11 : memref<!tpu.dma_semaphore, #tpu.memory_space<semaphore_mem>>)
      %add3A_329 = arith.constant 1 : i32
      %add3A_330 = arith.addi %add3A_201, %add3A_329 : i32
      %sub3A_331 = arith.constant 1 : i32
      %sub3A_332 = arith.subi %add3A_330, %sub3A_331 : i32
      %mul3A_333 = arith.constant 2 : i32
      %mul3A_334 = arith.muli %sub3A_332, %mul3A_333 : i32
      %add3A_335 = arith.addi %mul3A_2, %mul3A_334 : i32
      %mul3A_336 = arith.constant 200 : i32
      %mul3A_337 = arith.muli %add3A_335, %mul3A_336 : i32
      %dma_wait3A_338 = arith.constant 0 : i32
      %dma_wait3A_339 = tpu.memref_slice %arg4[%mul3A_337, %dma_wait3A_338] : memref<819200x128xf32, #tpu.memory_space<hbm>> -> memref<400x64xf32, #tpu.memory_space<hbm>>
      %dma_wait3A_340 = arith.constant 0 : i32
      %dma_wait3A_341 = tpu.memref_slice %arg4[%mul3A_337, %dma_wait3A_340] : memref<819200x128xf32, #tpu.memory_space<hbm>> -> memref<400x64xf32, #tpu.memory_space<hbm>>
      tpu.wait_dma2 semaphore(%arg11 : memref<!tpu.dma_semaphore, #tpu.memory_space<semaphore_mem>>) src(%arg7 : memref<400x64xf32, #tpu.memory_space<vmem>>) dst(%dma_wait3A_341 : memref<400x64xf32, #tpu.memory_space<hbm>>)
      %add3A_342 = arith.constant 1 : i32
      %add3A_343 = arith.addi %add3A_330, %add3A_342 : i32
      %mul3A_344 = arith.constant 2 : i32
      %mul3A_345 = arith.muli %add3A_343, %mul3A_344 : i32
      %add3A_346 = arith.constant 0 : i32
      %add3A_347 = arith.addi %mul3A_345, %add3A_346 : i32
      %mul3A_348 = arith.constant 2 : i32
      %mul3A_349 = arith.muli %add3A_343, %mul3A_348 : i32
      %add3A_350 = arith.constant 0 : i32
      %add3A_351 = arith.addi %mul3A_349, %add3A_350 : i32
      %mul3A_352 = arith.constant 2 : i32
      %mul3A_353 = arith.muli %add3A_343, %mul3A_352 : i32
      %add3A_354 = arith.constant 1 : i32
      %add3A_355 = arith.addi %mul3A_353, %add3A_354 : i32
      %mul3A_356 = arith.constant 2 : i32
      %mul3A_357 = arith.muli %add3A_343, %mul3A_356 : i32
      %add3A_358 = arith.constant 1 : i32
      %add3A_359 = arith.addi %mul3A_357, %add3A_358 : i32
      %dma_start3A_360 = arith.constant 0 : i32
      %dma_start3A_361 = arith.constant 0 : i32
      %dma_start3A_362 = tpu.memref_slice %arg7[%dma_start3A_360, %dma_start3A_361] : memref<400x64xf32, #tpu.memory_space<vmem>> -> memref<128x64xf32, #tpu.memory_space<vmem>>
      %dma_start3A_363 = arith.constant 0 : i32
      %dma_start3A_364 = tpu.memref_slice %arg5[%add3A_347, %dma_start3A_363] : memref<128x200xi32, #tpu.memory_space<vmem>> -> memref<1x128xi32, #tpu.memory_space<vmem>>
      %dma_start3A_365 = tpu.memref_squeeze %dma_start3A_364 : memref<1x128xi32, #tpu.memory_space<vmem>> -> memref<128xi32, #tpu.memory_space<vmem>>
      %dma_start3A_366 = arith.constant 0 : i32
      %dma_start3A_367 = arith.constant 0 : i32
      %dma_start3A_368 = tpu.memref_slice %arg3[%dma_start3A_366, %dma_start3A_367] : memref<2000000x64xf32, #tpu.memory_space<hbm>> -> memref<2000000x64xf32, #tpu.memory_space<hbm>>
      tpu.enqueue_indirect_dma source(%dma_start3A_368 : memref<2000000x64xf32, #tpu.memory_space<hbm>>) target(%dma_start3A_362 : memref<128x64xf32, #tpu.memory_space<vmem>>) offsets(%dma_start3A_365 : memref<128xi32, #tpu.memory_space<vmem>>) semaphore(%arg9 : memref<!tpu.dma_semaphore, #tpu.memory_space<semaphore_mem>>)
      %dma_start3A_369 = arith.constant 128 : i32
      %dma_start3A_370 = arith.constant 0 : i32
      %dma_start3A_371 = tpu.memref_slice %arg7[%dma_start3A_369, %dma_start3A_370] : memref<400x64xf32, #tpu.memory_space<vmem>> -> memref<72x64xf32, #tpu.memory_space<vmem>>
      %dma_start3A_372 = arith.constant 128 : i32
      %dma_start3A_373 = tpu.memref_slice %arg5[%add3A_351, %dma_start3A_372] : memref<128x200xi32, #tpu.memory_space<vmem>> -> memref<1x72xi32, #tpu.memory_space<vmem>>
      %dma_start3A_374 = tpu.memref_squeeze %dma_start3A_373 : memref<1x72xi32, #tpu.memory_space<vmem>> -> memref<72xi32, #tpu.memory_space<vmem>>
      %dma_start3A_375 = arith.constant 0 : i32
      %dma_start3A_376 = arith.constant 0 : i32
      %dma_start3A_377 = tpu.memref_slice %arg3[%dma_start3A_375, %dma_start3A_376] : memref<2000000x64xf32, #tpu.memory_space<hbm>> -> memref<2000000x64xf32, #tpu.memory_space<hbm>>
      tpu.enqueue_indirect_dma source(%dma_start3A_377 : memref<2000000x64xf32, #tpu.memory_space<hbm>>) target(%dma_start3A_371 : memref<72x64xf32, #tpu.memory_space<vmem>>) offsets(%dma_start3A_374 : memref<72xi32, #tpu.memory_space<vmem>>) semaphore(%arg9 : memref<!tpu.dma_semaphore, #tpu.memory_space<semaphore_mem>>)
      %dma_start3A_378 = arith.constant 200 : i32
      %dma_start3A_379 = arith.constant 0 : i32
      %dma_start3A_380 = tpu.memref_slice %arg7[%dma_start3A_378, %dma_start3A_379] : memref<400x64xf32, #tpu.memory_space<vmem>> -> memref<128x64xf32, #tpu.memory_space<vmem>>
      %dma_start3A_381 = arith.constant 0 : i32
      %dma_start3A_382 = tpu.memref_slice %arg5[%add3A_355, %dma_start3A_381] : memref<128x200xi32, #tpu.memory_space<vmem>> -> memref<1x128xi32, #tpu.memory_space<vmem>>
      %dma_start3A_383 = tpu.memref_squeeze %dma_start3A_382 : memref<1x128xi32, #tpu.memory_space<vmem>> -> memref<128xi32, #tpu.memory_space<vmem>>
      %dma_start3A_384 = arith.constant 0 : i32
      %dma_start3A_385 = arith.constant 0 : i32
      %dma_start3A_386 = tpu.memref_slice %arg3[%dma_start3A_384, %dma_start3A_385] : memref<2000000x64xf32, #tpu.memory_space<hbm>> -> memref<2000000x64xf32, #tpu.memory_space<hbm>>
      tpu.enqueue_indirect_dma source(%dma_start3A_386 : memref<2000000x64xf32, #tpu.memory_space<hbm>>) target(%dma_start3A_380 : memref<128x64xf32, #tpu.memory_space<vmem>>) offsets(%dma_start3A_383 : memref<128xi32, #tpu.memory_space<vmem>>) semaphore(%arg9 : memref<!tpu.dma_semaphore, #tpu.memory_space<semaphore_mem>>)
      %dma_start3A_387 = arith.constant 328 : i32
      %dma_start3A_388 = arith.constant 0 : i32
      %dma_start3A_389 = tpu.memref_slice %arg7[%dma_start3A_387, %dma_start3A_388] : memref<400x64xf32, #tpu.memory_space<vmem>> -> memref<72x64xf32, #tpu.memory_space<vmem>>
      %dma_start3A_390 = arith.constant 128 : i32
      %dma_start3A_391 = tpu.memref_slice %arg5[%add3A_359, %dma_start3A_390] : memref<128x200xi32, #tpu.memory_space<vmem>> -> memref<1x72xi32, #tpu.memory_space<vmem>>
      %dma_start3A_392 = tpu.memref_squeeze %dma_start3A_391 : memref<1x72xi32, #tpu.memory_space<vmem>> -> memref<72xi32, #tpu.memory_space<vmem>>
      %dma_start3A_393 = arith.constant 0 : i32
      %dma_start3A_394 = arith.constant 0 : i32
      %dma_start3A_395 = tpu.memref_slice %arg3[%dma_start3A_393, %dma_start3A_394] : memref<2000000x64xf32, #tpu.memory_space<hbm>> -> memref<2000000x64xf32, #tpu.memory_space<hbm>>
      tpu.enqueue_indirect_dma source(%dma_start3A_395 : memref<2000000x64xf32, #tpu.memory_space<hbm>>) target(%dma_start3A_389 : memref<72x64xf32, #tpu.memory_space<vmem>>) offsets(%dma_start3A_392 : memref<72xi32, #tpu.memory_space<vmem>>) semaphore(%arg9 : memref<!tpu.dma_semaphore, #tpu.memory_space<semaphore_mem>>)
      %mul3A_396 = arith.constant 2 : i32
      %mul3A_397 = arith.muli %add3A_330, %mul3A_396 : i32
      %add3A_398 = arith.constant 0 : i32
      %add3A_399 = arith.addi %mul3A_397, %add3A_398 : i32
      %mul3A_400 = arith.constant 2 : i32
      %mul3A_401 = arith.muli %add3A_330, %mul3A_400 : i32
      %add3A_402 = arith.constant 0 : i32
      %add3A_403 = arith.addi %mul3A_401, %add3A_402 : i32
      %mul3A_404 = arith.constant 2 : i32
      %mul3A_405 = arith.muli %add3A_330, %mul3A_404 : i32
      %add3A_406 = arith.constant 1 : i32
      %add3A_407 = arith.addi %mul3A_405, %add3A_406 : i32
      %mul3A_408 = arith.constant 2 : i32
      %mul3A_409 = arith.muli %add3A_330, %mul3A_408 : i32
      %add3A_410 = arith.constant 1 : i32
      %add3A_411 = arith.addi %mul3A_409, %add3A_410 : i32
      %dma_wait3A_412 = arith.constant 0 : i32
      %dma_wait3A_413 = arith.constant 0 : i32
      %dma_wait3A_414 = tpu.memref_slice %arg6[%dma_wait3A_412, %dma_wait3A_413] : memref<400x64xf32, #tpu.memory_space<vmem>> -> memref<128x64xf32, #tpu.memory_space<vmem>>
      %dma_wait3A_415 = arith.constant 0 : i32
      %dma_wait3A_416 = tpu.memref_slice %arg5[%add3A_399, %dma_wait3A_415] : memref<128x200xi32, #tpu.memory_space<vmem>> -> memref<1x128xi32, #tpu.memory_space<vmem>>
      %dma_wait3A_417 = tpu.memref_squeeze %dma_wait3A_416 : memref<1x128xi32, #tpu.memory_space<vmem>> -> memref<128xi32, #tpu.memory_space<vmem>>
      %dma_wait3A_418 = arith.constant 0 : i32
      %dma_wait3A_419 = arith.constant 0 : i32
      %dma_wait3A_420 = tpu.memref_slice %arg3[%dma_wait3A_418, %dma_wait3A_419] : memref<2000000x64xf32, #tpu.memory_space<hbm>> -> memref<2000000x64xf32, #tpu.memory_space<hbm>>
      tpu.wait_indirect_dma semaphore(%arg8 : memref<!tpu.dma_semaphore, #tpu.memory_space<semaphore_mem>>) src(%dma_wait3A_420 : memref<2000000x64xf32, #tpu.memory_space<hbm>>) dst(%dma_wait3A_414 : memref<128x64xf32, #tpu.memory_space<vmem>>)
      %dma_wait3A_421 = arith.constant 128 : i32
      %dma_wait3A_422 = arith.constant 0 : i32
      %dma_wait3A_423 = tpu.memref_slice %arg6[%dma_wait3A_421, %dma_wait3A_422] : memref<400x64xf32, #tpu.memory_space<vmem>> -> memref<72x64xf32, #tpu.memory_space<vmem>>
      %dma_wait3A_424 = arith.constant 128 : i32
      %dma_wait3A_425 = tpu.memref_slice %arg5[%add3A_403, %dma_wait3A_424] : memref<128x200xi32, #tpu.memory_space<vmem>> -> memref<1x72xi32, #tpu.memory_space<vmem>>
      %dma_wait3A_426 = tpu.memref_squeeze %dma_wait3A_425 : memref<1x72xi32, #tpu.memory_space<vmem>> -> memref<72xi32, #tpu.memory_space<vmem>>
      %dma_wait3A_427 = arith.constant 0 : i32
      %dma_wait3A_428 = arith.constant 0 : i32
      %dma_wait3A_429 = tpu.memref_slice %arg3[%dma_wait3A_427, %dma_wait3A_428] : memref<2000000x64xf32, #tpu.memory_space<hbm>> -> memref<2000000x64xf32, #tpu.memory_space<hbm>>
      tpu.wait_indirect_dma semaphore(%arg8 : memref<!tpu.dma_semaphore, #tpu.memory_space<semaphore_mem>>) src(%dma_wait3A_429 : memref<2000000x64xf32, #tpu.memory_space<hbm>>) dst(%dma_wait3A_423 : memref<72x64xf32, #tpu.memory_space<vmem>>)
      %dma_wait3A_430 = arith.constant 200 : i32
      %dma_wait3A_431 = arith.constant 0 : i32
      %dma_wait3A_432 = tpu.memref_slice %arg6[%dma_wait3A_430, %dma_wait3A_431] : memref<400x64xf32, #tpu.memory_space<vmem>> -> memref<128x64xf32, #tpu.memory_space<vmem>>
      %dma_wait3A_433 = arith.constant 0 : i32
      %dma_wait3A_434 = tpu.memref_slice %arg5[%add3A_407, %dma_wait3A_433] : memref<128x200xi32, #tpu.memory_space<vmem>> -> memref<1x128xi32, #tpu.memory_space<vmem>>
      %dma_wait3A_435 = tpu.memref_squeeze %dma_wait3A_434 : memref<1x128xi32, #tpu.memory_space<vmem>> -> memref<128xi32, #tpu.memory_space<vmem>>
      %dma_wait3A_436 = arith.constant 0 : i32
      %dma_wait3A_437 = arith.constant 0 : i32
      %dma_wait3A_438 = tpu.memref_slice %arg3[%dma_wait3A_436, %dma_wait3A_437] : memref<2000000x64xf32, #tpu.memory_space<hbm>> -> memref<2000000x64xf32, #tpu.memory_space<hbm>>
      tpu.wait_indirect_dma semaphore(%arg8 : memref<!tpu.dma_semaphore, #tpu.memory_space<semaphore_mem>>) src(%dma_wait3A_438 : memref<2000000x64xf32, #tpu.memory_space<hbm>>) dst(%dma_wait3A_432 : memref<128x64xf32, #tpu.memory_space<vmem>>)
      %dma_wait3A_439 = arith.constant 328 : i32
      %dma_wait3A_440 = arith.constant 0 : i32
      %dma_wait3A_441 = tpu.memref_slice %arg6[%dma_wait3A_439, %dma_wait3A_440] : memref<400x64xf32, #tpu.memory_space<vmem>> -> memref<72x64xf32, #tpu.memory_space<vmem>>
      %dma_wait3A_442 = arith.constant 128 : i32
      %dma_wait3A_443 = tpu.memref_slice %arg5[%add3A_411, %dma_wait3A_442] : memref<128x200xi32, #tpu.memory_space<vmem>> -> memref<1x72xi32, #tpu.memory_space<vmem>>
      %dma_wait3A_444 = tpu.memref_squeeze %dma_wait3A_443 : memref<1x72xi32, #tpu.memory_space<vmem>> -> memref<72xi32, #tpu.memory_space<vmem>>
      %dma_wait3A_445 = arith.constant 0 : i32
      %dma_wait3A_446 = arith.constant 0 : i32
      %dma_wait3A_447 = tpu.memref_slice %arg3[%dma_wait3A_445, %dma_wait3A_446] : memref<2000000x64xf32, #tpu.memory_space<hbm>> -> memref<2000000x64xf32, #tpu.memory_space<hbm>>
      tpu.wait_indirect_dma semaphore(%arg8 : memref<!tpu.dma_semaphore, #tpu.memory_space<semaphore_mem>>) src(%dma_wait3A_447 : memref<2000000x64xf32, #tpu.memory_space<hbm>>) dst(%dma_wait3A_441 : memref<72x64xf32, #tpu.memory_space<vmem>>)
      %mul3A_448 = arith.constant 2 : i32
      %mul3A_449 = arith.muli %add3A_330, %mul3A_448 : i32
      %add3A_450 = arith.addi %mul3A_2, %mul3A_449 : i32
      %mul3A_451 = arith.constant 200 : i32
      %mul3A_452 = arith.muli %add3A_450, %mul3A_451 : i32
      %dma_start3A_453 = arith.constant 0 : i32
      %dma_start3A_454 = tpu.memref_slice %arg4[%mul3A_452, %dma_start3A_453] : memref<819200x128xf32, #tpu.memory_space<hbm>> -> memref<400x64xf32, #tpu.memory_space<hbm>>
      %dma_start3A_455 = arith.constant 0 : i32
      %dma_start3A_456 = tpu.memref_slice %arg4[%mul3A_452, %dma_start3A_455] : memref<819200x128xf32, #tpu.memory_space<hbm>> -> memref<400x64xf32, #tpu.memory_space<hbm>>
      tpu.enqueue_dma source(%arg6 : memref<400x64xf32, #tpu.memory_space<vmem>>) target(%dma_start3A_456 : memref<400x64xf32, #tpu.memory_space<hbm>>) target_semaphore(%arg10 : memref<!tpu.dma_semaphore, #tpu.memory_space<semaphore_mem>>)
    }
    %scan3A_132 = arith.constant 31 : i32
    %dma_wait3A_133 = arith.constant 126 : i32
    %dma_wait3A_134 = arith.constant 0 : i32
    %dma_wait3A_135 = arith.constant 0 : i32
    %dma_wait3A_136 = tpu.memref_slice %arg7[%dma_wait3A_134, %dma_wait3A_135] : memref<400x64xf32, #tpu.memory_space<vmem>> -> memref<128x64xf32, #tpu.memory_space<vmem>>
    %dma_wait3A_137 = arith.constant 0 : i32
    %dma_wait3A_138 = tpu.memref_slice %arg5[%dma_wait3A_133, %dma_wait3A_137] : memref<128x200xi32, #tpu.memory_space<vmem>> -> memref<1x128xi32, #tpu.memory_space<vmem>>
    %dma_wait3A_139 = tpu.memref_squeeze %dma_wait3A_138 : memref<1x128xi32, #tpu.memory_space<vmem>> -> memref<128xi32, #tpu.memory_space<vmem>>
    %dma_wait3A_140 = arith.constant 0 : i32
    %dma_wait3A_141 = arith.constant 0 : i32
    %dma_wait3A_142 = tpu.memref_slice %arg3[%dma_wait3A_140, %dma_wait3A_141] : memref<2000000x64xf32, #tpu.memory_space<hbm>> -> memref<2000000x64xf32, #tpu.memory_space<hbm>>
    tpu.wait_indirect_dma semaphore(%arg9 : memref<!tpu.dma_semaphore, #tpu.memory_space<semaphore_mem>>) src(%dma_wait3A_142 : memref<2000000x64xf32, #tpu.memory_space<hbm>>) dst(%dma_wait3A_136 : memref<128x64xf32, #tpu.memory_space<vmem>>)
    %dma_wait3A_143 = arith.constant 126 : i32
    %dma_wait3A_144 = arith.constant 128 : i32
    %dma_wait3A_145 = arith.constant 0 : i32
    %dma_wait3A_146 = tpu.memref_slice %arg7[%dma_wait3A_144, %dma_wait3A_145] : memref<400x64xf32, #tpu.memory_space<vmem>> -> memref<72x64xf32, #tpu.memory_space<vmem>>
    %dma_wait3A_147 = arith.constant 128 : i32
    %dma_wait3A_148 = tpu.memref_slice %arg5[%dma_wait3A_143, %dma_wait3A_147] : memref<128x200xi32, #tpu.memory_space<vmem>> -> memref<1x72xi32, #tpu.memory_space<vmem>>
    %dma_wait3A_149 = tpu.memref_squeeze %dma_wait3A_148 : memref<1x72xi32, #tpu.memory_space<vmem>> -> memref<72xi32, #tpu.memory_space<vmem>>
    %dma_wait3A_150 = arith.constant 0 : i32
    %dma_wait3A_151 = arith.constant 0 : i32
    %dma_wait3A_152 = tpu.memref_slice %arg3[%dma_wait3A_150, %dma_wait3A_151] : memref<2000000x64xf32, #tpu.memory_space<hbm>> -> memref<2000000x64xf32, #tpu.memory_space<hbm>>
    tpu.wait_indirect_dma semaphore(%arg9 : memref<!tpu.dma_semaphore, #tpu.memory_space<semaphore_mem>>) src(%dma_wait3A_152 : memref<2000000x64xf32, #tpu.memory_space<hbm>>) dst(%dma_wait3A_146 : memref<72x64xf32, #tpu.memory_space<vmem>>)
    %dma_wait3A_153 = arith.constant 127 : i32
    %dma_wait3A_154 = arith.constant 200 : i32
    %dma_wait3A_155 = arith.constant 0 : i32
    %dma_wait3A_156 = tpu.memref_slice %arg7[%dma_wait3A_154, %dma_wait3A_155] : memref<400x64xf32, #tpu.memory_space<vmem>> -> memref<128x64xf32, #tpu.memory_space<vmem>>
    %dma_wait3A_157 = arith.constant 0 : i32
    %dma_wait3A_158 = tpu.memref_slice %arg5[%dma_wait3A_153, %dma_wait3A_157] : memref<128x200xi32, #tpu.memory_space<vmem>> -> memref<1x128xi32, #tpu.memory_space<vmem>>
    %dma_wait3A_159 = tpu.memref_squeeze %dma_wait3A_158 : memref<1x128xi32, #tpu.memory_space<vmem>> -> memref<128xi32, #tpu.memory_space<vmem>>
    %dma_wait3A_160 = arith.constant 0 : i32
    %dma_wait3A_161 = arith.constant 0 : i32
    %dma_wait3A_162 = tpu.memref_slice %arg3[%dma_wait3A_160, %dma_wait3A_161] : memref<2000000x64xf32, #tpu.memory_space<hbm>> -> memref<2000000x64xf32, #tpu.memory_space<hbm>>
    tpu.wait_indirect_dma semaphore(%arg9 : memref<!tpu.dma_semaphore, #tpu.memory_space<semaphore_mem>>) src(%dma_wait3A_162 : memref<2000000x64xf32, #tpu.memory_space<hbm>>) dst(%dma_wait3A_156 : memref<128x64xf32, #tpu.memory_space<vmem>>)
    %dma_wait3A_163 = arith.constant 127 : i32
    %dma_wait3A_164 = arith.constant 328 : i32
    %dma_wait3A_165 = arith.constant 0 : i32
    %dma_wait3A_166 = tpu.memref_slice %arg7[%dma_wait3A_164, %dma_wait3A_165] : memref<400x64xf32, #tpu.memory_space<vmem>> -> memref<72x64xf32, #tpu.memory_space<vmem>>
    %dma_wait3A_167 = arith.constant 128 : i32
    %dma_wait3A_168 = tpu.memref_slice %arg5[%dma_wait3A_163, %dma_wait3A_167] : memref<128x200xi32, #tpu.memory_space<vmem>> -> memref<1x72xi32, #tpu.memory_space<vmem>>
    %dma_wait3A_169 = tpu.memref_squeeze %dma_wait3A_168 : memref<1x72xi32, #tpu.memory_space<vmem>> -> memref<72xi32, #tpu.memory_space<vmem>>
    %dma_wait3A_170 = arith.constant 0 : i32
    %dma_wait3A_171 = arith.constant 0 : i32
    %dma_wait3A_172 = tpu.memref_slice %arg3[%dma_wait3A_170, %dma_wait3A_171] : memref<2000000x64xf32, #tpu.memory_space<hbm>> -> memref<2000000x64xf32, #tpu.memory_space<hbm>>
    tpu.wait_indirect_dma semaphore(%arg9 : memref<!tpu.dma_semaphore, #tpu.memory_space<semaphore_mem>>) src(%dma_wait3A_172 : memref<2000000x64xf32, #tpu.memory_space<hbm>>) dst(%dma_wait3A_166 : memref<72x64xf32, #tpu.memory_space<vmem>>)
    %add3A_173 = arith.constant 126 : i32
    %add3A_174 = arith.addi %mul3A_2, %add3A_173 : i32
    %mul3A_175 = arith.constant 200 : i32
    %mul3A_176 = arith.muli %add3A_174, %mul3A_175 : i32
    %dma_start3A_177 = arith.constant 0 : i32
    %dma_start3A_178 = tpu.memref_slice %arg4[%mul3A_176, %dma_start3A_177] : memref<819200x128xf32, #tpu.memory_space<hbm>> -> memref<400x64xf32, #tpu.memory_space<hbm>>
    %dma_start3A_179 = arith.constant 0 : i32
    %dma_start3A_180 = tpu.memref_slice %arg4[%mul3A_176, %dma_start3A_179] : memref<819200x128xf32, #tpu.memory_space<hbm>> -> memref<400x64xf32, #tpu.memory_space<hbm>>
    tpu.enqueue_dma source(%arg7 : memref<400x64xf32, #tpu.memory_space<vmem>>) target(%dma_start3A_180 : memref<400x64xf32, #tpu.memory_space<hbm>>) target_semaphore(%arg11 : memref<!tpu.dma_semaphore, #tpu.memory_space<semaphore_mem>>)
    %add3A_181 = arith.constant 124 : i32
    %add3A_182 = arith.addi %mul3A_2, %add3A_181 : i32
    %mul3A_183 = arith.constant 200 : i32
    %mul3A_184 = arith.muli %add3A_182, %mul3A_183 : i32
    %dma_wait3A_185 = arith.constant 0 : i32
    %dma_wait3A_186 = tpu.memref_slice %arg4[%mul3A_184, %dma_wait3A_185] : memref<819200x128xf32, #tpu.memory_space<hbm>> -> memref<400x64xf32, #tpu.memory_space<hbm>>
    %dma_wait3A_187 = arith.constant 0 : i32
    %dma_wait3A_188 = tpu.memref_slice %arg4[%mul3A_184, %dma_wait3A_187] : memref<819200x128xf32, #tpu.memory_space<hbm>> -> memref<400x64xf32, #tpu.memory_space<hbm>>
    tpu.wait_dma2 semaphore(%arg10 : memref<!tpu.dma_semaphore, #tpu.memory_space<semaphore_mem>>) src(%arg6 : memref<400x64xf32, #tpu.memory_space<vmem>>) dst(%dma_wait3A_188 : memref<400x64xf32, #tpu.memory_space<hbm>>)
    %add3A_189 = arith.constant 126 : i32
    %add3A_190 = arith.addi %mul3A_2, %add3A_189 : i32
    %mul3A_191 = arith.constant 200 : i32
    %mul3A_192 = arith.muli %add3A_190, %mul3A_191 : i32
    %dma_wait3A_193 = arith.constant 0 : i32
    %dma_wait3A_194 = tpu.memref_slice %arg4[%mul3A_192, %dma_wait3A_193] : memref<819200x128xf32, #tpu.memory_space<hbm>> -> memref<400x64xf32, #tpu.memory_space<hbm>>
    %dma_wait3A_195 = arith.constant 0 : i32
    %dma_wait3A_196 = tpu.memref_slice %arg4[%mul3A_192, %dma_wait3A_195] : memref<819200x128xf32, #tpu.memory_space<hbm>> -> memref<400x64xf32, #tpu.memory_space<hbm>>
    tpu.wait_dma2 semaphore(%arg11 : memref<!tpu.dma_semaphore, #tpu.memory_space<semaphore_mem>>) src(%arg7 : memref<400x64xf32, #tpu.memory_space<vmem>>) dst(%dma_wait3A_196 : memref<400x64xf32, #tpu.memory_space<hbm>>)
    return
  }
}

</mosaic_0001>

<sc_bundles>
// kernel: kernel.3.cloned.1.call-start
scs
__scs_entry_jumppad:
0x0: {  	(pc) =	sbr.rel $0x88, $3  }
0x1: {  	(tag) =	ssettag $0x0;
	lr =	simm.s32 $0x1  }
0x2: {  	[smem:$0x3F9F] =	sst lr;
	_ =	strace $0xD0000000  }
0x3: {  	_ = 	snop  }
0x4: {  	_ = 	snop  }
0x5: {  	_ = 	snop  }
0x6: {  	_ = 	snop  }
0x7: {  	_ = 	snop  }
__scs_overlays_trampoline_lowered:
0x8: {  	[smem:$0x3FAE] =	sst s0  }
0x9: {  	[smem:$0x3FAF] =	sst s1  }
0xa: {  	[smem:$0x3FB0] =	sst s2  }
0xb: {  	[smem:$0x3FB1] =	sst s3  }
0xc: {  	[smem:$0x3FB2] =	sst s4  }
0xd: {  	[smem:$0x3FB3] =	sst s5  }
0xe: {  	[smem:$0x3FB4] =	sst s6  }
0xf: {  	[smem:$0x3FB5] =	sst s7  }
0x10: {  	[smem:$0x3FB6] =	sst s8  }
0x11: {  	[smem:$0x3FB7] =	sst s9;
	s0 =	simm.s32 @!p0 $0x0  }
0x12: {  	s1 =	sld [smem:$0x3F9D];
	s0 =	simm.s32 @p0 $0x1  }
0x13: {  	[smem:$0x3FB8] =	sst s0;
	s0 =	simm.s32 @!p1 $0x0  }
0x14: {  	s2 =	sld [smem:$0x3F9C];
	s0 =	simm.s32 @p1 $0x1  }
0x15: {  	[smem:$0x3FB9] =	sst s0;
	s0 =	simm.s32 @!p2 $0x0  }
0x16: {  	s3 =	sld [smem:$0x3FDB];
	s0 =	simm.s32 @p2 $0x1  }
0x17: {  	s4 =	simm.s32 $0x1BF5;
	[smem:$0x3FBB] =	sst s0  }
0x18: {  	s0 =	sld [smem:$0x3F9E];
	_ =	swait.ge [sflag:s4], $0x0  }
0x19: {  	s7 =	sld [smem:$0x3F9F]  }
0x1a: {  	s8 =	sadd.s32 $0xFFFFE003, lr  }
0x1b: {  	s9 =	sadd.s32 $0xFFFFFEF7, lr;
	s5 =	simm.s32 $0xFFFFFFFF;
	p2 =	slt.u32 s8, $0xFFFFF086  }
0x1c: {  	p1 =	slt.u32 s9, $0xF7A;
	s5 =	simm.s32 @!p2 $0x0  }
0x1d: {  	s5 =	simm.s32 @p1 $0x1;
	p0 =	seq.s32 s7, s2  }
0x1e: {  	s7 =	smul.u32 @!p0 $0xF7A, s2;
	p2 =	seq.s32 @!p0 s5, $0x0  }
0x1f: {  	s9 =	smul.u32 $0xF7A, s1;
	s8 =	simm.s32 @!p0 $0x1BF5;
	p2 =	por !p2, p0  }
0x20: {  	[sflag:s8] =	ssyncset.s32 @!p0 $0xFFFFF086;
	s6 =	sadd.s32 @!p0 s3, s7;
	s7 =	simm.s32 @!p0 $0x108  }
0x21: {  	s3 =	sadd.s32 s3, s9;
	s6 =	sadd.s32 @!p0 $0x88, s6;
	s7 =	simm.s32 @p2 $0x1082  }
0x22: {  	[simem:s7], [sflag:s8] =	dma.local @!p0 [hbm:s6], $0xF7A  }
0x23: {  	s9 =	sor.u32 $0xD0000000, s2;
	s6 =	simm.s32 $0x108;
	_ =	swait.ge @!p0 [sflag:s8], $0x0  }
0x24: {  	s3 =	sadd.s32 $0x88, s3;
	s6 =	simm.s32 @!p1 $0x1082;
	[sflag:s4] =	ssyncset.s32 $0xFFFFF086  }
0x25: {  	[simem:s6], [sflag:s4] =	dma.local [hbm:s3], $0xF7A  }
0x26: {  	[smem:$0x3F9F] =	sst s1;
	(tag) =	ssettag s2;
	_ =	strace s9  }
0x27: {  	s1 =	sld [smem:$0x3FAF]  }
0x28: {  	s2 =	sld [smem:$0x3FB0]  }
0x29: {  	s4 =	sld [smem:$0x3FB2]  }
0x2a: {  	p0 =	seq.s32 s5, $0x0;
	s5 =	sld [smem:$0x3FB3]  }
0x2b: {  	s6 =	sld [smem:$0x3FB4]  }
0x2c: {  	s7 =	sld [smem:$0x3FB5]  }
0x2d: {  	s3 =	simm.s32 $0x108;
	s8 =	sld [smem:$0x3FB6]  }
0x2e: {  	s3 =	simm.s32 @!p0 $0x1082;
	s9 =	sld [smem:$0x3FB7]  }
0x2f: {  	lr =	sadd.s32 s0, s3;
	s0 =	sld [smem:$0x3FAE]  }
0x30: {  	s3 =	sld [smem:$0x3FB1]  }
0x31: {  	[smem:$0x3FBA] =	sst s10  }
0x32: {  	s10 =	sld [smem:$0x3FB8];
	_ =	sdelay $0x3  }
0x33: {  	p0 =	seq.s32 s10, $0x1;
	s10 =	sld [smem:$0x3FBA];
	_ =	sdelay $0x3  }
0x34: {  	[smem:$0x3FBA] =	sst s10  }
0x35: {  	s10 =	sld [smem:$0x3FB9];
	_ =	sdelay $0x3  }
0x36: {  	p1 =	seq.s32 s10, $0x1;
	s10 =	sld [smem:$0x3FBA];
	_ =	sdelay $0x3  }
0x37: {  	[smem:$0x3FBA] =	sst s10  }
0x38: {  	s10 =	sld [smem:$0x3FBB]  }
0x39: {  	_ = 	snop;
	(pc) =	sbr.ind lr, $3  }
0x3a: {  	_ = 	snop  }
0x3b: {  	_ = 	snop  }
0x3c: {  	p2 =	seq.s32 s10, $0x1;
	s10 =	sld [smem:$0x3FBA]  }
0x3d: {  	_ =	shalt  }
0x3e: {  	_ =	shalt  }
0x3f: {  	_ =	shalt  }
0x40: {  	_ =	shalt  }
0x41: {  	_ =	shalt  }
0x42: {  	_ =	shalt  }
0x43: {  	_ =	shalt  }
0x44: {  	_ =	shalt  }
0x45: {  	_ =	shalt  }
0x46: {  	_ =	shalt  }
0x47: {  	_ =	shalt  }
0x48: {  	_ =	shalt  }
0x49: {  	_ =	shalt  }
0x4a: {  	_ =	shalt  }
0x4b: {  	_ =	shalt  }
0x4c: {  	_ =	shalt  }
0x4d: {  	_ =	shalt  }
0x4e: {  	_ =	shalt  }
0x4f: {  	_ =	shalt  }
0x50: {  	_ =	shalt  }
0x51: {  	_ =	shalt  }
0x52: {  	_ =	shalt  }
0x53: {  	_ =	shalt  }
0x54: {  	_ =	shalt  }
0x55: {  	_ =	shalt  }
0x56: {  	_ =	shalt  }
0x57: {  	_ =	shalt  }
0x58: {  	_ =	shalt  }
0x59: {  	_ =	shalt  }
0x5a: {  	_ =	shalt  }
0x5b: {  	_ =	shalt  }
0x5c: {  	_ =	shalt  }
0x5d: {  	_ =	shalt  }
0x5e: {  	_ =	shalt  }
0x5f: {  	_ =	shalt  }
0x60: {  	_ =	shalt  }
0x61: {  	_ =	shalt  }
0x62: {  	_ =	shalt  }
0x63: {  	_ =	shalt  }
0x64: {  	_ =	shalt  }
0x65: {  	_ =	shalt  }
0x66: {  	_ =	shalt  }
0x67: {  	_ =	shalt  }
0x68: {  	_ =	shalt  }
0x69: {  	_ =	shalt  }
0x6a: {  	_ =	shalt  }
0x6b: {  	_ =	shalt  }
0x6c: {  	_ =	shalt  }
0x6d: {  	_ =	shalt  }
0x6e: {  	_ =	shalt  }
0x6f: {  	_ =	shalt  }
0x70: {  	_ =	shalt  }
0x71: {  	_ =	shalt  }
0x72: {  	_ =	shalt  }
0x73: {  	_ =	shalt  }
0x74: {  	_ =	shalt  }
0x75: {  	_ =	shalt  }
0x76: {  	_ =	shalt  }
0x77: {  	_ =	shalt  }
0x78: {  	_ =	shalt  }
0x79: {  	_ =	shalt  }
0x7a: {  	_ =	shalt  }
0x7b: {  	_ =	shalt  }
0x7c: {  	_ =	shalt  }
0x7d: {  	_ =	shalt  }
0x7e: {  	_ =	shalt  }
0x7f: {  	_ =	shalt  }
0x80: {  	_ =	shalt  }
0x81: {  	_ =	shalt  }
0x82: {  	_ =	shalt  }
0x83: {  	_ =	shalt  }
0x84: {  	_ =	shalt  }
0x85: {  	_ =	shalt  }
0x86: {  	_ =	shalt  }
0x87: {  	_ =	shalt  }
.Lfunc_end0:
.L_simem_size_0:
called_computation.2_lowered:
.L_overlay_start_0:
0x88: {  	s2 =	sld [smem:$0x3FD9]  }
0x89: {  	s3 =	sld [smem:$0x3FFE];
	_ =	sdelay $0x1  }
0x8a: {  	s1 =	srdreg.scid  }
0x8b: {  	s0 =	sand.u32 $0x1, s1  }
0x8c: {  	s17 =	sshll.u32 s0, $0xA;
	s2 =	sadd.s32 s3, s2  }
0x8d: {  	s2 =	sadd.s32 s2, s17  }
0x8e: {  	[smem:$0x3FC6] =	sst s2  }
0x8f: {  	_ = 	snop  }
0x90: {  	s2 =	sld [smem:$0x3FD0];
	(tm) =	ssettm $0x1  }
0x91: {  	s18 =	sld [smem:$0x3FFB];
	_ =	sdelay $0x3  }
0x92: {  	_ =	strace s18  }
0x93: {  	s3 =	sld [smem:$0x3FFC];
	_ =	sdelay $0x3  }
0x94: {  	_ =	strace s3  }
0x95: {  	s3 =	sld [smem:$0x3FFD];
	_ =	sdelay $0x3  }
0x96: {  	_ =	strace s3  }
0x97: {  	_ =	strace $0x8FFFFFFF  }
0x98: {  	s19 =	sld [smem:$0x3FDB];
	_ =	sdelay $0x1  }
0x99: {  	s4 =	simm.s32 $_scs_section_size  }
0x9a: {  	s5 =	simm.s32 $_size__tile_overlayer_lowered;
	s6 =	simm.s32 $_tile_overlayer_lowered  }
0x9b: {  	s22 =	simm.s32 $0x1BFF;
	s21 =	sshll.u32 s6, $0x1;
	s3 =	sadd.s32 s4, s19  }
0x9c: {  	s7 =	simm.s32 $0x0;
	s20 =	sshll.u32 s5, $0x1;
	s5 =	sadd.s32 s21, s3  }
0x9d: {  	[timem:s7], [sflag:s22] =	dma.local [hbm:s5], s20  }
0x9e: {  	_ =	swait.ge [sflag:s22], s20  }
0x9f: {  	s4 =	ssub.s32 $0x0, s20;
	[sflag:s22] =	ssyncset.done $0x0  }
0xa0: {  	[sflag:s22] =	ssyncadd.s32 s4;
	_ =	sdelay $0x1  }
0xa1: {  	s23 =	simm.s32 $0x1B8B  }
0xa2: {  	_ =	swait.ge [sflag:s23], $0x1  }
0xa3: {  	[sflag:s23] =	ssyncset.done $0x0  }
0xa4: {  	s25 =	simm.s32 $0x1B8E;
	s24 =	sld [smem:$0x3FFE];
	[sflag:s23] =	ssyncadd.s32 $0xFFFFFFFF  }
0xa5: {  	s26 =	simm.s32 $execute0_lowered;
	[smem:$0x3FD2] =	sst s25  }
0xa6: {  	s5 =	sshll.u32 s26, $0x1;
	_ =	strace $0x80000049;
	[dreg:$0x1] =	wrdreg $0xFFFFFFFF  }
0xa7: {  	s28 =	simm.s32 $_size_execute0_lowered;
	s3 =	sadd.s32 s3, s5;
	[dreg:$0x0] =	wrdreg $0x0  }
0xa8: {  	s5 =	sshll.u32 s28, $0x1;
	[dreg:$0x2] =	wrdreg s3  }
0xa9: {  	[dreg:$0x3] =	wrdreg s5  }
0xaa: {  	[dreg:$0x4] =	wrdreg $0xC0  }
0xab: {  	_ =	task [dreg:s7], $0x5FFFF  }
0xac: {  	[dreg:$0x1] =	wrdreg $0xFFFFFFFF  }
0xad: {  	[dreg:$0x0] =	wrdreg $0x60  }
0xae: {  	[dreg:$0x2] =	wrdreg s2  }
0xaf: {  	[dreg:$0x3] =	wrdreg s24  }
0xb0: {  	[dreg:$0x4] =	wrdreg $0x9  }
0xb1: {  	_ =	task.clear_ibuf [dreg:s7], $0x5FFFF;
	_ =	strace $0x90000049  }
0xb2: {  	s29 =	simm.s32 $0x9;
	_ =	strace $0x8000004B  }
0xb3: {  	_ =	swait.ge [sflag:s29], $0x1  }
0xb4: {  	[sflag:s29] =	ssyncadd.s32 $0xFFFFFFFF  }
0xb5: {  	_ =	strace $0x9000004B  }
0xb6: {  	_ =	sfence  }
0xb7: {  	s30 =	sld [smem:$0x0];
	_ =	sdelay $0x2  }
0xb8: {  	s31 =	sshll.u32 s1, $0xD;
	s1 =	sshrl.u32 s1, $0x2  }
0xb9: {  	s3 =	sand.u32 $0x4000, s31;
	s1 =	sadd.s32 s1, s30  }
0xba: {  	s0 =	sor.u32 s3, s0;
	s1 =	sshll.u32 s1, $0x11  }
0xbb: {  	s0 =	sor.u32 s1, s0  }
0xbc: {  	s0 =	sadd.s32 $0x8F2B, s0  }
0xbd: {  	[sflag:s0] =	ssyncadd.remote.s32 $0x1  }
0xbe: {  	_ =	sfence.sel $0xFFFF  }
0xbf: {  	[dreg:$0x0] =	wrdreg $0xFFFFFFFF;
	(pc) =	sbr.abs _section_cstart, $3  }
0xc0: {  	[dreg:$0x1] =	wrdreg $0xFFFFFFFF  }
0xc1: {  	_ =	task.clear_ibuf [dreg:s7], $0x2FFFF;
	_ =	strace $0x9FFFFFFF  }
0xc2: {  	(tm) =	ssettm $0x7FFFFFFF  }
0xc3: {  	_ =	shalt  }
tec
execute0_lowered:
.L_overlay_start_1:
0x0: {  	(tag) =	ssettag $0x1  }
0x1: {  	s0 =	rddreg [dreg:$0x0];
	s1 =	srdreg.scid  }
0x2: {  	s11 =	stileid.u32;
	s4 =	rddreg [dreg:$0x1]  }
0x3: {  	s2 =	simm.s32 $0x0;
	s12 =	simm.s32 $0x48;
	s13 =	simm.s32 $0x8400  }
0x4: {  	s15 =	simm.s32 $0x9600;
	s17 =	simm.s32 $0xB600;
	s19 =	simm.s32 $0xC800  }
0x5: {  	s20 =	simm.s32 $0x210;
	s21 =	simm.s32 $0xE800;
	s22 =	simm.s32 $0x258  }
0x6: {  	s28 =	simm.s32 $0x40;
	s29 =	simm.s32 $0x3;
	s30 =	simm.s32 $0x2  }
0x7: {  	s31 =	simm.s32 $0x4;
	s1 =	sand.u32 $0x1, s1;
	s3 =	sshll.u32 s11, $0x1  }
0x8: {  	[smem:$0x7FF] =	sst s2;
	s10 =	sadd.s32 $0xE00, s4;
	s23 =	smul.u32 $0xC8000, s11  }
0x9: {  	s5 =	sor.u32 s1, s3;
	s7 =	ssub.s32 $0x2, s1;
	s1 =	smul.u32 $0x64000, s1  }
0xa: {  	s11 =	simm.s32 $0x6400;
	_ =	strace $0x8000004A;
	s6 =	smul.u32 $0xC80, s5  }
0xb: {  	s3 =	sadd.s32 $0xF43200, s4;
	s8 =	smul.u32 $0x64000, s5;
	s9 =	sshrl.u32 s7, $0x1  }
0xc: {  	s5 =	smul.u32 $0x320000, s5;
	s25 =	sadd.s32 s23, s10;
	s23 =	simm.s32 $0xFA00  }
0xd: {  	s7 =	ssub.s32 s7, s9;
	s26 =	sadd.s32 s1, s25;
	s9 =	simm.s32 $0x5  }
0xe: {  	s25 =	simm.s32 $0x11A00;
	s1 =	simm.s32 $0x0;
	s4 =	sadd.s32 s0, s6  }
0xf: {  	s24 =	sshrl.u32 s5, $0x3;
	s5 =	sadd.s32 s10, s8;
	s7 =	smax.u32 s7, $0x1  }
0x10: {  	s8 =	sadd.s32 $0x1900, s26;
	s26 =	simm.s32 $0x1;
	s0 =	sadd.s32 s10, s24  }
0x11: {  	s10 =	simm.s32 $0x80;
	s24 =	simm.s32 $0x2D8;
	s6 =	sadd.s32 $0x62700, s0  }
.LBB2_1:
0x12: {  	[tilespmem:s2], [sflag:$0x5] =	stream.linear.gather [hbm4b:s4+s2], $0x6400, $0x38;
	[tilespmem:$0x12C00] =	vst v63  }
0x13: {  	_ =	swait.ge [sflag:s9], $0x6400  }
0x14: {  	[sflag:s9] =	ssyncset.done $0x0  }
0x15: {  	[sflag:s9] =	ssyncadd.s32 $0xFFFF9C00  }
0x16: {  	[tilespmem:s11], [sflag:$0x1] =	stream.indirect.gather [hbm4b:s3+s10], $0x40, s2, s10, $0xb8;
	[tilespmem:$0x12C00] =	vst v63  }
0x17: {  	_ = 	snop  }
0x18: {  	[tilespmem:s13], [sflag:$0x1] =	stream.indirect.gather [hbm4b:s3+s12], $0x40, s10, s12, $0xb8;
	[tilespmem:$0x12C00] =	vst v63  }
0x19: {  	s0 =	simm.s32 $0xC8  }
0x1a: {  	[tilespmem:s15], [sflag:$0x1] =	stream.indirect.gather [hbm4b:s3+s10], $0x40, s0, s10, $0xb8;
	[tilespmem:$0x12C00] =	vst v63  }
0x1b: {  	s18 =	simm.s32 $0x148  }
0x1c: {  	[tilespmem:s17], [sflag:$0x1] =	stream.indirect.gather [hbm4b:s3+s12], $0x40, s18, s12, $0xb8;
	[tilespmem:$0x12C00] =	vst v63  }
0x1d: {  	s14 =	simm.s32 $0x190  }
0x1e: {  	[tilespmem:s19], [sflag:$0x2] =	stream.indirect.gather [hbm4b:s3+s10], $0x40, s14, s10, $0xb8;
	[tilespmem:$0x12C00] =	vst v63  }
0x1f: {  	_ = 	snop  }
0x20: {  	[tilespmem:s21], [sflag:$0x2] =	stream.indirect.gather [hbm4b:s3+s12], $0x40, s20, s12, $0xb8;
	[tilespmem:$0x12C00] =	vst v63  }
0x21: {  	_ = 	snop  }
0x22: {  	[tilespmem:s23], [sflag:$0x2] =	stream.indirect.gather [hbm4b:s3+s10], $0x40, s22, s10, $0xb8;
	[tilespmem:$0x12C00] =	vst v63  }
0x23: {  	_ = 	snop  }
0x24: {  	[tilespmem:s25], [sflag:$0x2] =	stream.indirect.gather [hbm4b:s3+s12], $0x40, s24, s12, $0xb8;
	[tilespmem:$0x12C00] =	vst v63  }
0x25: {  	_ =	swait.ge [sflag:s26], $0x2000  }
0x26: {  	[sflag:s26] =	ssyncset.done $0x0  }
0x27: {  	[sflag:s26] =	ssyncadd.s32 $0xFFFFE000  }
0x28: {  	_ =	swait.ge [sflag:s26], $0x1200  }
0x29: {  	[sflag:s26] =	ssyncset.done $0x0  }
0x2a: {  	[sflag:s26] =	ssyncadd.s32 $0xFFFFEE00  }
0x2b: {  	_ =	swait.ge [sflag:s26], $0x2000  }
0x2c: {  	[sflag:s26] =	ssyncset.done $0x0  }
0x2d: {  	[sflag:s26] =	ssyncadd.s32 $0xFFFFE000  }
0x2e: {  	_ =	swait.ge [sflag:s26], $0x1200  }
0x2f: {  	[sflag:s26] =	ssyncset.done $0x0  }
0x30: {  	[sflag:s26] =	ssyncadd.s32 $0xFFFFEE00  }
0x31: {  	[hbm4b:s5+s28] =	stream.strided.scatter [tilespmem:s11], [sflag:$0x3], $0x6400, s10, s28, $0x38;
	[tilespmem:$0x12C00] =	vst v63  }
0x32: {  	_ =	swait.ge [sflag:s29], $0x6400  }
0x33: {  	[sflag:s29] =	ssyncset.done $0x0  }
0x34: {  	s16 =	simm.s32 $0x320;
	[sflag:s29] =	ssyncadd.s32 $0xFFFF9C00  }
0x35: {  	[tilespmem:s11], [sflag:$0x1] =	stream.indirect.gather [hbm4b:s3+s10], $0x40, s16, s10, $0xb8;
	[tilespmem:$0x12C00] =	vst v63  }
0x36: {  	s18 =	simm.s32 $0x3A0  }
0x37: {  	[tilespmem:s13], [sflag:$0x1] =	stream.indirect.gather [hbm4b:s3+s12], $0x40, s18, s12, $0xb8;
	[tilespmem:$0x12C00] =	vst v63  }
0x38: {  	s14 =	simm.s32 $0x3E8  }
0x39: {  	[tilespmem:s15], [sflag:$0x1] =	stream.indirect.gather [hbm4b:s3+s10], $0x40, s14, s10, $0xb8;
	[tilespmem:$0x12C00] =	vst v63  }
0x3a: {  	s16 =	simm.s32 $0x468  }
0x3b: {  	[tilespmem:s17], [sflag:$0x1] =	stream.indirect.gather [hbm4b:s3+s12], $0x40, s16, s12, $0xb8;
	[tilespmem:$0x12C00] =	vst v63  }
0x3c: {  	_ =	swait.ge [sflag:s30], $0x2000  }
0x3d: {  	[sflag:s30] =	ssyncset.done $0x0  }
0x3e: {  	[sflag:s30] =	ssyncadd.s32 $0xFFFFE000  }
0x3f: {  	_ =	swait.ge [sflag:s30], $0x1200  }
0x40: {  	[sflag:s30] =	ssyncset.done $0x0  }
0x41: {  	[sflag:s30] =	ssyncadd.s32 $0xFFFFEE00  }
0x42: {  	_ =	swait.ge [sflag:s30], $0x2000  }
0x43: {  	[sflag:s30] =	ssyncset.done $0x0  }
0x44: {  	[sflag:s30] =	ssyncadd.s32 $0xFFFFE000  }
0x45: {  	_ =	swait.ge [sflag:s30], $0x1200  }
0x46: {  	[sflag:s30] =	ssyncset.done $0x0  }
0x47: {  	[sflag:s30] =	ssyncadd.s32 $0xFFFFEE00  }
0x48: {  	[hbm4b:s8+s28] =	stream.strided.scatter [tilespmem:s19], [sflag:$0x4], $0x6400, s10, s28, $0x38;
	[tilespmem:$0x12C00] =	vst v63  }
0x49: {  	_ =	swait.ge [sflag:s31], $0x6400  }
0x4a: {  	[sflag:s31] =	ssyncset.done $0x0  }
0x4b: {  	s18 =	simm.s32 $0x4B0;
	[sflag:s31] =	ssyncadd.s32 $0xFFFF9C00  }
0x4c: {  	[tilespmem:s19], [sflag:$0x2] =	stream.indirect.gather [hbm4b:s3+s10], $0x40, s18, s10, $0xb8;
	[tilespmem:$0x12C00] =	vst v63  }
0x4d: {  	s14 =	simm.s32 $0x530  }
0x4e: {  	[tilespmem:s21], [sflag:$0x2] =	stream.indirect.gather [hbm4b:s3+s12], $0x40, s14, s12, $0xb8;
	[tilespmem:$0x12C00] =	vst v63  }
0x4f: {  	s16 =	simm.s32 $0x578  }
0x50: {  	[tilespmem:s23], [sflag:$0x2] =	stream.indirect.gather [hbm4b:s3+s10], $0x40, s16, s10, $0xb8;
	[tilespmem:$0x12C00] =	vst v63  }
0x51: {  	s18 =	simm.s32 $0x5F8  }
0x52: {  	[tilespmem:s25], [sflag:$0x2] =	stream.indirect.gather [hbm4b:s3+s12], $0x40, s18, s12, $0xb8;
	[tilespmem:$0x12C00] =	vst v63  }
0x53: {  	_ =	swait.ge [sflag:s26], $0x2000  }
0x54: {  	[sflag:s26] =	ssyncset.done $0x0  }
0x55: {  	[sflag:s26] =	ssyncadd.s32 $0xFFFFE000  }
0x56: {  	_ =	swait.ge [sflag:s26], $0x1200  }
0x57: {  	[sflag:s26] =	ssyncset.done $0x0  }
0x58: {  	[sflag:s26] =	ssyncadd.s32 $0xFFFFEE00  }
0x59: {  	_ =	swait.ge [sflag:s26], $0x2000  }
0x5a: {  	[sflag:s26] =	ssyncset.done $0x0  }
0x5b: {  	[sflag:s26] =	ssyncadd.s32 $0xFFFFE000  }
0x5c: {  	_ =	swait.ge [sflag:s26], $0x1200  }
0x5d: {  	s0 =	simm.s32 $0xC80;
	[sflag:s26] =	ssyncset.done $0x0  }
0x5e: {  	s14 =	sadd.s32 $0x3200, s8;
	s16 =	sadd.s32 $0x1900, s8;
	[sflag:s26] =	ssyncadd.s32 $0xFFFFEE00  }
.LBB2_2:
0x5f: {  	[hbm4b:s16+s28] =	stream.strided.scatter [tilespmem:s11], [sflag:$0x3], $0x6400, s10, s28, $0x38;
	[tilespmem:$0x12C00] =	vst v63  }
0x60: {  	s16 =	smov.u32 s0  }
0x61: {  	p0 =	sne.s32 s0, $0x17700;
	s0 =	sadd.s32 $0xC80, s0;
	_ =	swait.ge [sflag:s29], $0x6400  }
0x62: {  	s16 =	sshra.s32 s16, $0x2;
	[sflag:s29] =	ssyncset.done $0x0  }
0x63: {  	s18 =	sadd.s32 $0x320, s16;
	[sflag:s29] =	ssyncadd.s32 $0xFFFF9C00  }
0x64: {  	[tilespmem:s11], [sflag:$0x1] =	stream.indirect.gather [hbm4b:s3+s10], $0x40, s18, s10, $0xb8;
	[tilespmem:$0x12C00] =	vst v63  }
0x65: {  	s18 =	sadd.s32 $0x3A0, s16  }
0x66: {  	[tilespmem:s13], [sflag:$0x1] =	stream.indirect.gather [hbm4b:s3+s12], $0x40, s18, s12, $0xb8;
	[tilespmem:$0x12C00] =	vst v63  }
0x67: {  	s18 =	sadd.s32 $0x3E8, s16  }
0x68: {  	[tilespmem:s15], [sflag:$0x1] =	stream.indirect.gather [hbm4b:s3+s10], $0x40, s18, s10, $0xb8;
	[tilespmem:$0x12C00] =	vst v63  }
0x69: {  	s18 =	sadd.s32 $0x468, s16  }
0x6a: {  	[tilespmem:s17], [sflag:$0x1] =	stream.indirect.gather [hbm4b:s3+s12], $0x40, s18, s12, $0xb8;
	[tilespmem:$0x12C00] =	vst v63  }
0x6b: {  	_ =	swait.ge [sflag:s30], $0x2000  }
0x6c: {  	[sflag:s30] =	ssyncset.done $0x0  }
0x6d: {  	[sflag:s30] =	ssyncadd.s32 $0xFFFFE000  }
0x6e: {  	_ =	swait.ge [sflag:s30], $0x1200  }
0x6f: {  	[sflag:s30] =	ssyncset.done $0x0  }
0x70: {  	[sflag:s30] =	ssyncadd.s32 $0xFFFFEE00  }
0x71: {  	_ =	swait.ge [sflag:s30], $0x2000  }
0x72: {  	[sflag:s30] =	ssyncset.done $0x0  }
0x73: {  	[sflag:s30] =	ssyncadd.s32 $0xFFFFE000  }
0x74: {  	_ =	swait.ge [sflag:s30], $0x1200  }
0x75: {  	[sflag:s30] =	ssyncset.done $0x0  }
0x76: {  	[sflag:s30] =	ssyncadd.s32 $0xFFFFEE00  }
0x77: {  	[hbm4b:s14+s28] =	stream.strided.scatter [tilespmem:s19], [sflag:$0x4], $0x6400, s10, s28, $0x38;
	[tilespmem:$0x12C00] =	vst v63  }
0x78: {  	_ =	swait.ge [sflag:s31], $0x6400  }
0x79: {  	[sflag:s31] =	ssyncset.done $0x0  }
0x7a: {  	s18 =	sadd.s32 $0x4B0, s16;
	[sflag:s31] =	ssyncadd.s32 $0xFFFF9C00  }
0x7b: {  	[tilespmem:s19], [sflag:$0x2] =	stream.indirect.gather [hbm4b:s3+s10], $0x40, s18, s10, $0xb8;
	[tilespmem:$0x12C00] =	vst v63  }
0x7c: {  	s18 =	sadd.s32 $0x530, s16  }
0x7d: {  	[tilespmem:s21], [sflag:$0x2] =	stream.indirect.gather [hbm4b:s3+s12], $0x40, s18, s12, $0xb8;
	[tilespmem:$0x12C00] =	vst v63  }
0x7e: {  	s18 =	sadd.s32 $0x578, s16  }
0x7f: {  	[tilespmem:s23], [sflag:$0x2] =	stream.indirect.gather [hbm4b:s3+s10], $0x40, s18, s10, $0xb8;
	[tilespmem:$0x12C00] =	vst v63  }
0x80: {  	s16 =	sadd.s32 $0x5F8, s16  }
0x81: {  	[tilespmem:s25], [sflag:$0x2] =	stream.indirect.gather [hbm4b:s3+s12], $0x40, s16, s12, $0xb8;
	[tilespmem:$0x12C00] =	vst v63  }
0x82: {  	_ =	swait.ge [sflag:s26], $0x2000  }
0x83: {  	[sflag:s26] =	ssyncset.done $0x0  }
0x84: {  	[sflag:s26] =	ssyncadd.s32 $0xFFFFE000  }
0x85: {  	_ =	swait.ge [sflag:s26], $0x1200  }
0x86: {  	[sflag:s26] =	ssyncset.done $0x0  }
0x87: {  	[sflag:s26] =	ssyncadd.s32 $0xFFFFEE00  }
0x88: {  	_ =	swait.ge [sflag:s26], $0x2000  }
.Ltmp0:
0x89: {  	[sflag:s26] =	ssyncset.done $0x0;
	(pc) =	sbr.rel @p0 .LBB2_2-.Ltmp0, $4  }
0x8a: {  	[sflag:s26] =	ssyncadd.s32 $0xFFFFE000  }
0x8b: {  	_ =	swait.ge [sflag:s26], $0x1200  }
0x8c: {  	[sflag:s26] =	ssyncset.done $0x0  }
0x8d: {  	s16 =	sadd.s32 $0x1900, s14;
	s14 =	sadd.s32 $0x3200, s14;
	[sflag:s26] =	ssyncadd.s32 $0xFFFFEE00  }
0x8e: {  	[hbm4b:s16+s28] =	stream.strided.scatter [tilespmem:s11], [sflag:$0x3], $0x6400, s10, s28, $0x38;
	[tilespmem:$0x12C00] =	vst v63  }
0x8f: {  	_ =	swait.ge [sflag:s30], $0x2000  }
0x90: {  	[sflag:s30] =	ssyncset.done $0x0  }
0x91: {  	[sflag:s30] =	ssyncadd.s32 $0xFFFFE000  }
0x92: {  	_ =	swait.ge [sflag:s30], $0x1200  }
0x93: {  	[sflag:s30] =	ssyncset.done $0x0  }
0x94: {  	[sflag:s30] =	ssyncadd.s32 $0xFFFFEE00  }
0x95: {  	_ =	swait.ge [sflag:s30], $0x2000  }
0x96: {  	[sflag:s30] =	ssyncset.done $0x0  }
0x97: {  	[sflag:s30] =	ssyncadd.s32 $0xFFFFE000  }
0x98: {  	_ =	swait.ge [sflag:s30], $0x1200  }
0x99: {  	[sflag:s30] =	ssyncset.done $0x0  }
0x9a: {  	s1 =	sadd.s32 $0x1, s1;
	[sflag:s30] =	ssyncadd.s32 $0xFFFFEE00  }
0x9b: {  	[hbm4b:s6+s28] =	stream.strided.scatter [tilespmem:s19], [sflag:$0x4], $0x6400, s10, s28, $0x38;
	[tilespmem:$0x12C00] =	vst v63  }
0x9c: {  	p0 =	sne.s32 s1, s7;
	_ =	swait.ge [sflag:s29], $0x6400  }
.Ltmp1:
0x9d: {  	[sflag:s29] =	ssyncset.done $0x0;
	(pc) =	sbr.rel @p0 .LBB2_1-.Ltmp1, $4  }
0x9e: {  	[sflag:s29] =	ssyncadd.s32 $0xFFFF9C00  }
0x9f: {  	_ =	swait.ge [sflag:s31], $0x6400  }
0xa0: {  	[sflag:s31] =	ssyncset.done $0x0  }
0xa1: {  	[sflag:s31] =	ssyncadd.s32 $0xFFFF9C00  }
0xa2: {  	_ =	sfence.sel $0x180000  }
0xa3: {  	[bflag:$0x0] =	sbarrier.arrive $0xFFFF  }
0xa4: {  	_ =	strace $0x9000004A  }
0xa5: {  	s0 =	stileid.u32;
	[bflag:$0x2] =	sbarrier.arrive $0xFFFF  }
0xa6: {  	p0 =	sne.s32 s0, $0x0;
	s0 =	rddreg [dreg:$0x2]  }
0xa7: {  	s0 =	sadd.s32 @!p0 $0x100000, s0  }
0xa8: {  	[sflag:s0] =	ssyncadd.tile.s32 @!p0 $0x1;
	_ =	shalt  }
.Lfunc_end2:
_tile_overlayer_lowered:
.L_overlay_start_2:
0xa9: {  	(tag) =	ssettag $0x2  }
0xaa: {  	s0 =	rddreg [dreg:$0x0];
	s2 =	stileid.u32  }
0xab: {  	s1 =	rddreg [dreg:$0x1];
	p0 =	sne.s32 s2, $0x0  }
0xac: {  	s3 =	rddreg [dreg:$0x2];
	[bflag:$0x3] =	sbarrier.arrive $0xFFFF;
	s2 =	simm.s32 @!p0 $0x1C05  }
0xad: {  	[timem:s3], [sflag:s2] =	dma.local @!p0 [hbm:s0], s1  }
0xae: {  	s0 =	simm.s32 @!p0 $0x5  }
0xaf: {  	_ =	swait.ge @!p0 [sflag:s0], s1  }
0xb0: {  	s1 =	ssub.s32 @!p0 $0x0, s1;
	[sflag:s0] =	ssyncset.done @!p0 $0x0  }
0xb1: {  	[sflag:s0] =	ssyncadd.s32 @!p0 s1  }
0xb2: {  	[bflag:$0x3] =	sbarrier.arrive $0xFFFF  }
0xb3: {  	_ =	shalt  }

// kernel: sparse-core-data-format-call.1.cloned.1.call-start
scs
called_computation.1_lowered:
.L_overlay_start_0:
0x0: {  	s2 =	sld [smem:$0x3FD9]  }
0x1: {  	s3 =	sld [smem:$0x3FFE];
	_ =	sdelay $0x1  }
0x2: {  	s1 =	srdreg.scid  }
0x3: {  	s0 =	sand.u32 $0x1, s1  }
0x4: {  	s18 =	sshll.u32 s0, $0xA;
	s2 =	sadd.s32 s3, s2  }
0x5: {  	s2 =	sadd.s32 s2, s18  }
0x6: {  	[smem:$0x3FC6] =	sst s2  }
0x7: {  	_ = 	snop  }
0x8: {  	s2 =	sld [smem:$0x3FC8];
	(tm) =	ssettm $0x1  }
0x9: {  	s19 =	sld [smem:$0x3FFB];
	_ =	sdelay $0x3  }
0xa: {  	_ =	strace s19  }
0xb: {  	s3 =	sld [smem:$0x3FFC];
	_ =	sdelay $0x3  }
0xc: {  	_ =	strace s3  }
0xd: {  	s3 =	sld [smem:$0x3FFD];
	_ =	sdelay $0x3  }
0xe: {  	_ =	strace s3  }
0xf: {  	_ =	strace $0x8FFFFFFF  }
0x10: {  	s20 =	sld [smem:$0x3FDB];
	_ =	sdelay $0x1  }
0x11: {  	s4 =	simm.s32 $_scs_section_size  }
0x12: {  	s5 =	simm.s32 $_size__tile_overlayer_lowered;
	s6 =	simm.s32 $_tile_overlayer_lowered  }
0x13: {  	s23 =	simm.s32 $0x1BFF;
	s22 =	sshll.u32 s6, $0x1;
	s3 =	sadd.s32 s4, s20  }
0x14: {  	s7 =	simm.s32 $0x0;
	s21 =	sshll.u32 s5, $0x1;
	s5 =	sadd.s32 s22, s3  }
0x15: {  	[timem:s7], [sflag:s23] =	dma.local [hbm:s5], s21  }
0x16: {  	_ =	swait.ge [sflag:s23], s21  }
0x17: {  	s4 =	ssub.s32 $0x0, s21;
	[sflag:s23] =	ssyncset.done $0x0  }
0x18: {  	[sflag:s23] =	ssyncadd.s32 s4;
	_ =	sdelay $0x1  }
0x19: {  	s24 =	simm.s32 $0x1B8B  }
0x1a: {  	_ =	swait.ge [sflag:s24], $0x1  }
0x1b: {  	[sflag:s24] =	ssyncset.done $0x0  }
0x1c: {  	s26 =	simm.s32 $0x1B8E;
	s25 =	sld [smem:$0x3FFE];
	[sflag:s24] =	ssyncadd.s32 $0xFFFFFFFF  }
0x1d: {  	s27 =	simm.s32 $execute0_lowered;
	[smem:$0x3FD2] =	sst s26  }
0x1e: {  	s5 =	sshll.u32 s27, $0x1;
	_ =	strace $0x80000046;
	[dreg:$0x1] =	wrdreg $0xFFFFFFFF  }
0x1f: {  	s28 =	simm.s32 $_size_execute0_lowered;
	s3 =	sadd.s32 s3, s5;
	[dreg:$0x0] =	wrdreg $0x0  }
0x20: {  	s5 =	sshll.u32 s28, $0x1;
	[dreg:$0x2] =	wrdreg s3  }
0x21: {  	[dreg:$0x3] =	wrdreg s5  }
0x22: {  	[dreg:$0x4] =	wrdreg $0xC0  }
0x23: {  	_ =	task [dreg:s7], $0x5FFFF  }
0x24: {  	[dreg:$0x1] =	wrdreg $0xFFFFFFFF  }
0x25: {  	[dreg:$0x0] =	wrdreg $0x60  }
0x26: {  	[dreg:$0x2] =	wrdreg s2  }
0x27: {  	[dreg:$0x3] =	wrdreg s25  }
0x28: {  	[dreg:$0x4] =	wrdreg $0x9  }
0x29: {  	_ =	task.clear_ibuf [dreg:s7], $0x5FFFF;
	_ =	strace $0x90000046  }
0x2a: {  	s29 =	simm.s32 $0x9;
	_ =	strace $0x80000048  }
0x2b: {  	_ =	swait.ge [sflag:s29], $0x1  }
0x2c: {  	[sflag:s29] =	ssyncadd.s32 $0xFFFFFFFF  }
0x2d: {  	_ =	strace $0x90000048  }
0x2e: {  	_ =	sfence  }
0x2f: {  	s30 =	sld [smem:$0x0];
	_ =	sdelay $0x2  }
0x30: {  	s31 =	sshll.u32 s1, $0xD;
	s1 =	sshrl.u32 s1, $0x2  }
0x31: {  	s3 =	sand.u32 $0x4000, s31;
	s1 =	sadd.s32 s1, s30  }
0x32: {  	s0 =	sor.u32 s3, s0;
	s1 =	sshll.u32 s1, $0x11  }
0x33: {  	s0 =	sor.u32 s1, s0  }
0x34: {  	s0 =	sadd.s32 $0x8F2B, s0  }
0x35: {  	[sflag:s0] =	ssyncadd.remote.s32 $0x1  }
0x36: {  	_ =	sfence.sel $0xFFFF  }
0x37: {  	[dreg:$0x0] =	wrdreg $0xFFFFFFFF;
	(pc) =	sbr.abs _section_cstart, $3  }
0x38: {  	[dreg:$0x1] =	wrdreg $0xFFFFFFFF  }
0x39: {  	_ =	task.clear_ibuf [dreg:s7], $0x2FFFF;
	_ =	strace $0x9FFFFFFF  }
0x3a: {  	(tm) =	ssettm $0x7FFFFFFF  }
0x3b: {  	_ =	shalt  }
tec
execute0_lowered:
.L_overlay_start_1:
0x0: {  	(tag) =	ssettag $0x1  }
0x1: {  	s0 =	srdreg.scid;
	s2 =	rddreg [dreg:$0x0]  }
0x2: {  	s5 =	rddreg [dreg:$0x1];
	s1 =	stileid.u32  }
0x3: {  	s4 =	simm.s32 $0x1;
	s6 =	simm.s32 $0x2;
	s15 =	simm.s32 $0x0  }
0x4: {  	p0 =	por $0x0, $0x0;
	s8 =	simm.s32 $0x80;
	s0 =	sshll.u32 s0, $0x4  }
0x5: {  	s14 =	simm.s32 $0x0;
	s9 =	simm.s32 $0x0;
	s3 =	sand.u32 $0x10, s0  }
.Ltmp0:
0x6: {  	s10 =	simm.s32 $0x0;
	s3 =	sor.u32 s1, s3;
	(pc) =	sbr.rel .LBB1_1-.Ltmp0, $4  }
0x7: {  	s0 =	rddreg [dreg:$0x2];
	_ =	strace $0x80000047;
	s3 =	sshll.u32 s3, $0x7  }
0x8: {  	s12 =	simm.s32 $0x0;
	[sflag:s4] =	ssyncpa.u1 $0x0;
	s7 =	ssub.s32 $0xF4200, s3  }
0x9: {  	s13 =	simm.s32 $0x0;
	[sflag:s6] =	ssyncpa.u1 $0x0;
	s6 =	sshrl.u32 s7, $0xC  }
0xa: {  	s5 =	sadd.s32 $0xE00, s5;
	s11 =	smov.u32 s3;
	s7 =	sadd.s32 $0x2, s6  }
.LBB1_5:
0xb: {  	p1 =	slt.u32 s13, $0x2  }
0xc: {  	s17 =	smov.u32 s15;
	p2 =	sgt.s32 @!p1 s15, $0xF41C0;
	s16 =	sshra.s32 @!p1 s15, $0x1F  }
0xd: {  	p3 =	sgt.s32 @!p1 s14, $0x40;
	s18 =	sshra.s32 @!p1 s14, $0x1F;
	p2 =	por !p2, p1  }
0xe: {  	s15 =	sand.u32 @!p1 s16, s15;
	p3 =	por !p3, p1;
	s16 =	smov.u32 s14  }
0xf: {  	s14 =	sand.u32 @!p1 s18, s14;
	s17 =	simm.s32 @p2 $0xF41C0;
	s16 =	simm.s32 @p3 $0x40  }
0x10: {  	s15 =	ssub.s32 @!p1 s17, s15;
	s14 =	ssub.s32 @!p1 s16, s14  }
0x11: {  	s18 =	smov.u32 s12;
	s16 =	sadd.s32 @!p1 $0xFFF0BE40, s15;
	s17 =	sadd.s32 @!p1 $0xFFFFFFC0, s14  }
0x12: {  	s15 =	ssub.s32 @!p1 $0xF4240, s15;
	p2 =	sgt.s32 @!p1 s16, $0x7F;
	p3 =	sgt.s32 @!p1 s17, $0x3F  }
0x13: {  	s14 =	ssub.s32 @!p1 $0x80, s14;
	p2 =	por !p2, p1;
	p3 =	por !p3, p1  }
0x14: {  	s16 =	sadd.s32 $0x1000, s11;
	s15 =	simm.s32 @!p2 $0x0;
	s14 =	simm.s32 @!p3 $0x0  }
0x15: {  	p2 =	sgt.s32 s16, $0xF423F;
	s14 =	smul.u32 @!p1 s14, s15;
	s15 =	sadd.s32 $0x40, s12  }
0x16: {  	s18 =	smov.u32 @p2 s15  }
0x17: {  	s16 =	smov.u32 @p2 s3;
	p2 =	sgt.s32 s18, $0x3F  }
0x18: {  	s18 =	simm.s32 @p2 $0x0;
	p2 =	sne.s32 s13, s7  }
.Ltmp1:
0x19: {  	p0 =	por !p0, !p0;
	s17 =	simm.s32 @!p1 $0x2;
	(pc) =	sbr.rel @!p2 .LBB1_6-.Ltmp1, $4  }
0x1a: {  	s15 =	smov.u32 s9;
	s9 =	smov.u32 s11;
	s14 =	sand.u32 @!p1 $0x3FFFFFFF, s14  }
0x1b: {  	s11 =	smov.u32 s16;
	_ =	swait.ge @!p1 [sflag:s17], s14;
	s19 =	ssub.s32 @!p1 $0x0, s14  }
0x1c: {  	s14 =	smov.u32 s10;
	s13 =	sadd.s32 $0x1, s13;
	[sflag:s17] =	ssyncset.done @!p1 $0x0  }
0x1d: {  	s10 =	smov.u32 s12;
	s12 =	smov.u32 s18;
	[sflag:s17] =	ssyncadd.s32 @!p1 s19  }
.LBB1_1:
0x1e: {  	p1 =	sgt.u32 s13, s6  }
0x1f: {  	s16 =	sshrl.u32 @!p1 s12, $0x3  }
0x20: {  	s17 =	sshll.u32 @!p1 s11, $0x3;
	s16 =	smul.u32 @!p1 $0x7A1400, s16  }
0x21: {  	s18 =	sshll.u32 @!p1 s12, $0x7;
	s17 =	sand.u32 @!p1 $0xFFFFFC00, s17  }
0x22: {  	s16 =	sadd.s32 @!p1 s16, s17;
	s17 =	sand.u32 @!p1 $0x380, s18  }
0x23: {  	s18 =	sand.u32 @!p1 $0x7F, s11;
	s16 =	sor.u32 @!p1 s17, s16  }
0x24: {  	s17 =	sor.u32 @!p1 s18, s16  }
0x25: {  	s18 =	smulhi.u32 @!p1 $0x218D6287, s17;
	_ =	sdelay $0x1  }
0x26: {  	s16 =	smulhi.u32 @!p1 $0x218D6287, s16;
	s18 =	sshrl.u32 @!p1 s18, $0x11  }
0x27: {  	s18 =	smul.u32 @!p1 $0xF4280, s18  }
0x28: {  	s19 =	sxor.u32 @!p1 $0xFFFFFFFF, s13;
	s16 =	sshrl.u32 @!p1 s16, $0x11  }
0x29: {  	s19 =	sshll.u32 @!p1 s19, $0xD;
	s16 =	sand.u32 @!p1 $0x3F, s16;
	s17 =	ssub.s32 @!p1 s17, s18  }
0x2a: {  	s16 =	smul.u32 @!p1 $0x1E850, s16;
	s18 =	sshrl.u32 @!p1 s17, $0x3;
	s17 =	sand.u32 @!p1 $0x7, s17  }
0x2b: {  	s19 =	sand.u32 @!p1 $0x2000, s19;
	s18 =	sadd.s32 @!p1 s2, s18;
	s17 =	sshll.u32 @!p1 s17, $0x12  }
0x2c: {  	s16 =	sadd.s32 @!p1 s16, s18;
	s17 =	sor.u32 @!p1 $0x400, s17;
	s18 =	simm.s32 @!p1 $0x7A1400  }
0x2d: {  	[tilespmem:s19], [sflag:$0x1] =	stream.strided.gather @!p1 [hbm4b:s16+s17], $0x2000, s18, s17, $0x38;
	[tilespmem:$0x8100] =	vst v63  }
0x2e: {  	p1 =	seq.s32 s13, $0x0  }
0x2f: {  	p2 =	sge.u32 @!p1 s13, s7  }
0x30: {  	p1 =	por p1, p2  }
.Ltmp2:
0x31: {  	_ = 	snop;
	(pc) =	sbr.rel @p1 .LBB1_5-.Ltmp2, $1  }
0x32: {  	_ =	sdelay $0x3  }
0x33: {  	s16 =	simm.s32 $0x1  }
0x34: {  	_ =	swait.ge [sflag:s4], $0x2000;
	s16 =	simm.s32 @!p0 $0x0  }
0x35: {  	[sflag:s4] =	ssyncset.done $0x0;
	s17 =	sshll.u32 s16, $0xD  }
0x36: {  	[sflag:s4] =	ssyncadd.s32 $0xFFFFE000;
	s17 =	sor.u32 $0x40, s17  }
0x37: {  	s16 =	smul.u32 $0x8200, s16;
	v0 =	vld [tilespmem:s17+$0x30]  }
0x38: {  	v1 =	vld [tilespmem:s17+$0xFFFFFFD0]  }
0x39: {  	s16 =	sshrl.u32 s16, $0x2;
	v5 =	vld [tilespmem:s17+$0xFFFFFFE0]  }
0x3a: {  	v6 =	vld [tilespmem:s17+$0xFFFFFFF0];
	s19 =	sor.u32 $0x4000, s16  }
0x3b: {  	s31 =	sand.u32 $0x1, s13;
	v4 =	vld [tilespmem:s17+$0x0];
	s18 =	sadd.s32 $0x0, s19  }
0x3c: {  	v3 =	vld [tilespmem:s17+$0x10];
	s16 =	smul.u32 $0x8200, s31;
	[tilespmem:s18+$0x1C70 ss:$0x41] =	vst.msk $0xffff, v0  }
0x3d: {  	v2 =	vld [tilespmem:s17+$0x20];
	[tilespmem:s18+$0x410 ss:$0x41] =	vst.msk $0xffff, v1  }
0x3e: {  	s16 =	sshrl.u32 s16, $0x2;
	v1 =	vld [tilespmem:s17+$0xFFFFFFC0];
	[tilespmem:s18+$0x820 ss:$0x41] =	vst.msk $0xffff, v5;
	s17 =	sadd.s32 $0x80, s17  }
0x3f: {  	s20 =	simm.s32 $0x4;
	s21 =	simm.s32 $0x8;
	s16 =	sor.u32 $0x4000, s16;
	[tilespmem:s18+$0xC30 ss:$0x41] =	vst.msk $0xffff, v6;
	v0 =	vld [tilespmem:s17+$0x30]  }
.LBB1_3:
0x40: {  	p1 =	sne.s32 s21, $0xFC;
	v5 =	vld [tilespmem:s17+$0xFFFFFFD0];
	[tilespmem:s18+$0x1040 ss:$0x41] =	vst.msk $0xffff, v4  }
0x41: {  	v6 =	vld [tilespmem:s17+$0xFFFFFFE0];
	[tilespmem:s18+$0x1450 ss:$0x41] =	vst.msk $0xffff, v3  }
0x42: {  	s22 =	sshra.s32 s20, $0x2;
	s20 =	smov.u32 s21;
	v7 =	vld [tilespmem:s17+$0xFFFFFFF0];
	[tilespmem:s18+$0x1860 ss:$0x41] =	vst.msk $0xffff, v2  }
.Ltmp3:
0x43: {  	v4 =	vld [tilespmem:s17+$0x0];
	[tilespmem:s18+$0x0 ss:$0x41] =	vst.msk $0xffff, v1;
	s18 =	sadd.s32 s22, s19;
	(pc) =	sbr.rel @p1 .LBB1_3-.Ltmp3, $4  }
0x44: {  	v3 =	vld [tilespmem:s17+$0x10];
	[tilespmem:s18+$0x1C70 ss:$0x41] =	vst.msk $0xffff, v0  }
0x45: {  	[tilespmem:s18+$0x410 ss:$0x41] =	vst.msk $0xffff, v5;
	v2 =	vld [tilespmem:s17+$0x20]  }
0x46: {  	v1 =	vld [tilespmem:s17+$0xFFFFFFC0];
	[tilespmem:s18+$0x820 ss:$0x41] =	vst.msk $0xffff, v6;
	s17 =	sadd.s32 $0x80, s17  }
0x47: {  	s21 =	sadd.s32 $0x4, s21;
	v0 =	vld [tilespmem:s17+$0x30];
	[tilespmem:s18+$0xC30 ss:$0x41] =	vst.msk $0xffff, v7  }
0x48: {  	s21 =	sshll.u32 s9, $0x7;
	s22 =	sshll.u32 s10, $0x3;
	s20 =	sshra.s32 s20, $0x2  }
0x49: {  	p1 =	sgt.s32 s9, $0xF41C0;
	s30 =	sshra.s32 s9, $0x1F;
	s25 =	sshra.s32 s10, $0x1F  }
0x4a: {  	v5 =	vld [tilespmem:s17+$0xFFFFFFD0];
	s28 =	sshrl.u32 s10, $0x3;
	s23 =	sand.u32 $0xFFFFFC00, s21;
	s22 =	sand.u32 $0xFFFFFC00, s22  }
0x4b: {  	[tilespmem:s18+$0x1040 ss:$0x41] =	vst.msk $0xffff, v4;
	v58 =	vld [tilespmem:s17+$0xFFFFFFE0];
	s21 =	sand.u32 $0x380, s21;
	s19 =	sadd.s32 s20, s19;
	s22 =	sadd.s32 s22, s23  }
0x4c: {  	v59 =	vld [tilespmem:s17+$0xFFFFFFF0];
	[tilespmem:s18+$0x1450 ss:$0x41] =	vst.msk $0xffff, v3;
	s29 =	sor.u32 s21, s22;
	s21 =	smov.u32 s9;
	s22 =	sand.u32 s30, s9  }
0x4d: {  	v60 =	vld [tilespmem:s17+$0x0];
	[tilespmem:s18+$0x1860 ss:$0x41] =	vst.msk $0xffff, v2;
	s30 =	sand.u32 $0x7, s10;
	s20 =	sshrl.u32 s29, $0x7;
	s21 =	simm.s32 @!p1 $0xF41C0  }
0x4e: {  	v61 =	vld [tilespmem:s17+$0x10];
	[tilespmem:s18+$0x0 ss:$0x41] =	vst.msk $0xffff, v1;
	p1 =	sgt.s32 s10, $0x40;
	s24 =	ssub.s32 s21, s22;
	s21 =	smov.u32 s10  }
0x4f: {  	v62 =	vld [tilespmem:s17+$0x20];
	[tilespmem:s19+$0x1C70 ss:$0x41] =	vst.msk $0xffff, v0;
	s31 =	smulhi.u32 $0x218DEF5, s20;
	s22 =	sand.u32 s25, s10;
	s21 =	simm.s32 @!p1 $0x40  }
0x50: {  	v63 =	vld [tilespmem:s17+$0xFFFFFFC0];
	[tilespmem:s19+$0x410 ss:$0x41] =	vst.msk $0xffff, v5;
	s26 =	sadd.s32 $0xFFF0BE40, s24;
	s17 =	ssub.s32 $0xF4240, s24;
	s21 =	ssub.s32 s21, s22  }
0x51: {  	[tilespmem:s19+$0x820 ss:$0x41] =	vst.msk $0xffff, v58;
	s23 =	sshrl.u32 s31, $0xD;
	p1 =	sgt.s32 s26, $0x7F;
	s27 =	sadd.s32 $0xFFFFFFC0, s21  }
0x52: {  	[tilespmem:s19+$0xC30 ss:$0x41] =	vst.msk $0xffff, v59;
	s23 =	smul.u32 $0xF4240, s23;
	s18 =	ssub.s32 $0x80, s21;
	p2 =	sgt.s32 s27, $0x3F  }
.Ltmp4:
0x53: {  	[tilespmem:s19+$0x1040 ss:$0x41] =	vst.msk $0xffff, v60;
	s17 =	simm.s32 @p1 $0x0;
	s18 =	simm.s32 @p2 $0x0;
	(pc) =	sbr.rel .LBB1_5-.Ltmp4, $4  }
0x54: {  	s29 =	sand.u32 $0xF, s28;
	[tilespmem:s19+$0x1450 ss:$0x41] =	vst.msk $0xffff, v61;
	s20 =	ssub.s32 s20, s23;
	s17 =	smul.u32 s18, s17  }
0x55: {  	[tilespmem:s19+$0x1860 ss:$0x41] =	vst.msk $0xffff, v62;
	s21 =	sshll.u32 s30, $0x12;
	s20 =	sshll.u32 s20, $0x4;
	s18 =	sadd.s32 s5, s29  }
0x56: {  	[tilespmem:s19+$0x0 ss:$0x41] =	vst.msk $0xffff, v63;
	s31 =	sor.u32 $0x40, s21;
	s18 =	sadd.s32 s20, s18;
	s17 =	sand.u32 $0x3FFFFFFF, s17  }
0x57: {  	[hbm4b:s18+s31] =	stream.strided.scatter [tilespmem:s16], [sflag:$0x2], s17, s8, s31, $0x18;
	[tilespmem:$0x8100] =	vst v63  }
.LBB1_6:
0x58: {  	_ =	sfence.sel $0x180000  }
0x59: {  	s2 =	simm.s32 $0x1;
	[bflag:$0x0] =	sbarrier.arrive $0xFFFF  }
0x5a: {  	s31 =	simm.s32 $0x2;
	[sflag:s2] =	ssyncpa.u1 $0x1  }
0x5b: {  	[sflag:s31] =	ssyncpa.u1 $0x1  }
0x5c: {  	p0 =	sne.s32 s1, $0x0;
	_ =	strace $0x90000047  }
0x5d: {  	s0 =	sadd.s32 @!p0 $0x100000, s0;
	[bflag:$0x2] =	sbarrier.arrive $0xFFFF  }
0x5e: {  	[sflag:s0] =	ssyncadd.tile.s32 @!p0 $0x1;
	_ =	shalt  }
.Lfunc_end1:
_tile_overlayer_lowered:
.L_overlay_start_2:
0x5f: {  	(tag) =	ssettag $0x2  }
0x60: {  	s0 =	rddreg [dreg:$0x0];
	s2 =	stileid.u32  }
0x61: {  	s1 =	rddreg [dreg:$0x1];
	p0 =	sne.s32 s2, $0x0  }
0x62: {  	s3 =	rddreg [dreg:$0x2];
	[bflag:$0x3] =	sbarrier.arrive $0xFFFF;
	s2 =	simm.s32 @!p0 $0x1C01  }
0x63: {  	[timem:s3], [sflag:s2] =	dma.local @!p0 [hbm:s0], s1  }
0x64: {  	s0 =	simm.s32 @!p0 $0x1  }
0x65: {  	_ =	swait.ge @!p0 [sflag:s0], s1  }
0x66: {  	s1 =	ssub.s32 @!p0 $0x0, s1;
	[sflag:s0] =	ssyncset.done @!p0 $0x0  }
0x67: {  	[sflag:s0] =	ssyncadd.s32 @!p0 s1  }
0x68: {  	[bflag:$0x3] =	sbarrier.arrive $0xFFFF  }
0x69: {  	_ =	shalt  }

// kernel: sparse-core-data-format-call.cloned.1.call-start
scs
called_computation_lowered:
.L_overlay_start_0:
0x0: {  	s2 =	sld [smem:$0x3FD9]  }
0x1: {  	s3 =	sld [smem:$0x3FFE];
	_ =	sdelay $0x1  }
0x2: {  	s1 =	srdreg.scid  }
0x3: {  	s0 =	sand.u32 $0x1, s1  }
0x4: {  	s18 =	sshll.u32 s0, $0xA;
	s2 =	sadd.s32 s3, s2  }
0x5: {  	s2 =	sadd.s32 s2, s18  }
0x6: {  	[smem:$0x3FC6] =	sst s2  }
0x7: {  	_ = 	snop  }
0x8: {  	s2 =	sld [smem:$0x3FD0];
	(tm) =	ssettm $0x1  }
0x9: {  	s19 =	sld [smem:$0x3FFB];
	_ =	sdelay $0x3  }
0xa: {  	_ =	strace s19  }
0xb: {  	s3 =	sld [smem:$0x3FFC];
	_ =	sdelay $0x3  }
0xc: {  	_ =	strace s3  }
0xd: {  	s3 =	sld [smem:$0x3FFD];
	_ =	sdelay $0x3  }
0xe: {  	_ =	strace s3  }
0xf: {  	_ =	strace $0x8FFFFFFF  }
0x10: {  	s20 =	sld [smem:$0x3FDB];
	_ =	sdelay $0x1  }
0x11: {  	s4 =	simm.s32 $_scs_section_size  }
0x12: {  	s5 =	simm.s32 $_size__tile_overlayer_lowered;
	s6 =	simm.s32 $_tile_overlayer_lowered  }
0x13: {  	s23 =	simm.s32 $0x1BFF;
	s22 =	sshll.u32 s6, $0x1;
	s3 =	sadd.s32 s4, s20  }
0x14: {  	s7 =	simm.s32 $0x0;
	s21 =	sshll.u32 s5, $0x1;
	s5 =	sadd.s32 s22, s3  }
0x15: {  	[timem:s7], [sflag:s23] =	dma.local [hbm:s5], s21  }
0x16: {  	_ =	swait.ge [sflag:s23], s21  }
0x17: {  	s4 =	ssub.s32 $0x0, s21;
	[sflag:s23] =	ssyncset.done $0x0  }
0x18: {  	[sflag:s23] =	ssyncadd.s32 s4;
	_ =	sdelay $0x1  }
0x19: {  	s24 =	simm.s32 $0x1B8B  }
0x1a: {  	_ =	swait.ge [sflag:s24], $0x1  }
0x1b: {  	[sflag:s24] =	ssyncset.done $0x0  }
0x1c: {  	s26 =	simm.s32 $0x1B8E;
	s25 =	sld [smem:$0x3FFE];
	[sflag:s24] =	ssyncadd.s32 $0xFFFFFFFF  }
0x1d: {  	s27 =	simm.s32 $execute0_lowered;
	[smem:$0x3FD2] =	sst s26  }
0x1e: {  	s5 =	sshll.u32 s27, $0x1;
	_ =	strace $0x8000004C;
	[dreg:$0x1] =	wrdreg $0xFFFFFFFF  }
0x1f: {  	s28 =	simm.s32 $_size_execute0_lowered;
	s3 =	sadd.s32 s3, s5;
	[dreg:$0x0] =	wrdreg $0x0  }
0x20: {  	s5 =	sshll.u32 s28, $0x1;
	[dreg:$0x2] =	wrdreg s3  }
0x21: {  	[dreg:$0x3] =	wrdreg s5  }
0x22: {  	[dreg:$0x4] =	wrdreg $0xC0  }
0x23: {  	_ =	task [dreg:s7], $0x5FFFF  }
0x24: {  	[dreg:$0x1] =	wrdreg $0xFFFFFFFF  }
0x25: {  	[dreg:$0x0] =	wrdreg $0x60  }
0x26: {  	[dreg:$0x2] =	wrdreg s25  }
0x27: {  	[dreg:$0x3] =	wrdreg s2  }
0x28: {  	[dreg:$0x4] =	wrdreg $0x9  }
0x29: {  	_ =	task.clear_ibuf [dreg:s7], $0x5FFFF;
	_ =	strace $0x9000004C  }
0x2a: {  	s29 =	simm.s32 $0x9;
	_ =	strace $0x8000004E  }
0x2b: {  	_ =	swait.ge [sflag:s29], $0x1  }
0x2c: {  	[sflag:s29] =	ssyncadd.s32 $0xFFFFFFFF  }
0x2d: {  	_ =	strace $0x9000004E  }
0x2e: {  	_ =	sfence  }
0x2f: {  	s30 =	sld [smem:$0x0];
	_ =	sdelay $0x2  }
0x30: {  	s31 =	sshll.u32 s1, $0xD;
	s1 =	sshrl.u32 s1, $0x2  }
0x31: {  	s3 =	sand.u32 $0x4000, s31;
	s1 =	sadd.s32 s1, s30  }
0x32: {  	s0 =	sor.u32 s3, s0;
	s1 =	sshll.u32 s1, $0x11  }
0x33: {  	s0 =	sor.u32 s1, s0  }
0x34: {  	s0 =	sadd.s32 $0x8F2B, s0  }
0x35: {  	[sflag:s0] =	ssyncadd.remote.s32 $0x1  }
0x36: {  	_ =	sfence.sel $0xFFFF  }
0x37: {  	[dreg:$0x0] =	wrdreg $0xFFFFFFFF;
	(pc) =	sbr.abs _section_cstart, $3  }
0x38: {  	[dreg:$0x1] =	wrdreg $0xFFFFFFFF  }
0x39: {  	_ =	task.clear_ibuf [dreg:s7], $0x2FFFF;
	_ =	strace $0x9FFFFFFF  }
0x3a: {  	(tm) =	ssettm $0x7FFFFFFF  }
0x3b: {  	_ =	shalt  }
tec
execute0_lowered:
.L_overlay_start_1:
0x0: {  	(tag) =	ssettag $0x1  }
0x1: {  	s0 =	srdreg.scid  }
0x2: {  	s1 =	sshll.u32 s0, $0x4  }
0x3: {  	s0 =	stileid.u32;
	s1 =	sand.u32 $0x10, s1  }
0x4: {  	s1 =	sor.u32 s0, s1  }
0x5: {  	s6 =	rddreg [dreg:$0x0];
	s4 =	simm.s32 $0x1;
	s2 =	sshll.u32 s1, $0x7  }
0x6: {  	s7 =	simm.s32 $0x2;
	s12 =	simm.s32 $0x0;
	s1 =	ssub.s32 $0x1000, s2  }
0x7: {  	s8 =	simm.s32 $0x8000;
	s13 =	simm.s32 $0x0;
	s3 =	sand.u32 $0xF80, s1  }
0x8: {  	s9 =	simm.s32 $0x0;
	s5 =	sshrl.u32 s1, $0xC;
	p0 =	sne.s32 s3, $0x0  }
.Ltmp0:
0x9: {  	s1 =	rddreg [dreg:$0x2];
	s4 =	simm.s32 @!p0 $0x0;
	(pc) =	sbr.rel .LBB1_1-.Ltmp0, $4  }
0xa: {  	s11 =	simm.s32 $0x0;
	s3 =	rddreg [dreg:$0x1];
	s5 =	sadd.s32 s4, s5  }
0xb: {  	_ =	strace $0x8000004D;
	s4 =	simm.s32 $0x1;
	s5 =	smul.u32 $0xC8, s5  }
0xc: {  	s6 =	sadd.s32 $0xE00, s6;
	s10 =	smov.u32 s2;
	[sflag:s4] =	ssyncpa.u1 $0x0  }
0xd: {  	p0 =	por $0x0, $0x0;
	[sflag:s7] =	ssyncpa.u1 $0x0;
	s7 =	sor.u32 $0x1, s5  }
.LBB1_4:
0xe: {  	s16 =	sshll.u32 s13, $0x3;
	s17 =	sand.u32 $0x78, s13  }
0xf: {  	s30 =	sand.u32 $0x7E00, s13;
	s12 =	sshll.u32 s12, $0xF;
	s16 =	sand.u32 $0xC00, s16  }
0x10: {  	[tilespmem:s15+$0x810 ss:$0x81] =	vst.msk $0xffff, v2;
	s31 =	sand.u32 $0x7, s13;
	s16 =	sor.u32 s17, s16;
	s17 =	sadd.s32 s3, s30  }
0x11: {  	[tilespmem:s15+$0x1020 ss:$0x81] =	vst.msk $0xffff, v0;
	s13 =	sshll.u32 s31, $0x12;
	s12 =	sadd.s32 s12, s17;
	s16 =	sshrl.u32 s16, $0x3  }
0x12: {  	[tilespmem:s15+$0x0 ss:$0x81] =	vst.msk $0xffff, v1;
	s13 =	sor.u32 $0x400, s13;
	s12 =	sadd.s32 s16, s12  }
0x13: {  	[hbm4b:s12+s13] =	stream.strided.scatter [tilespmem:s14], [sflag:$0x2], $0x2000, s8, s13, $0x20;
	[tilespmem:$0x8080] =	vst v63  }
.LBB1_5:
0x14: {  	s14 =	sadd.s32 $0x1, s9  }
0x15: {  	s12 =	sadd.s32 $0x1000, s10;
	s16 =	smov.u32 s10;
	p2 =	sgt.s32 s14, $0xC7  }
0x16: {  	s16 =	smov.u32 @p2 s12  }
0x17: {  	s14 =	simm.s32 @p2 $0x0;
	p2 =	sgt.s32 s16, $0xFFF  }
0x18: {  	s16 =	smov.u32 @p2 s2;
	p2 =	sne.s32 s11, s7  }
.Ltmp1:
0x19: {  	p1 =	slt.u32 s11, $0x2;
	(pc) =	sbr.rel @!p2 .LBB1_6-.Ltmp1, $4  }
0x1a: {  	s15 =	simm.s32 @!p1 $0x2  }
0x1b: {  	s13 =	smov.u32 s10;
	p0 =	por !p0, !p0;
	_ =	swait.ge @!p1 [sflag:s15], $0x2000  }
0x1c: {  	s12 =	smov.u32 s9;
	[sflag:s15] =	ssyncset.done @!p1 $0x0;
	s9 =	smov.u32 s14  }
0x1d: {  	s11 =	sadd.s32 $0x1, s11;
	[sflag:s15] =	ssyncadd.s32 @!p1 $0xFFFFE000;
	s10 =	smov.u32 s16  }
.LBB1_1:
0x1e: {  	p1 =	sge.u32 s11, s5  }
0x1f: {  	s14 =	sand.u32 @!p1 $0x1FFFFFF, s9  }
0x20: {  	s15 =	smulhi.u32 @!p1 $0x147AE15, s14;
	_ =	sdelay $0x1  }
0x21: {  	s15 =	smul.u32 @!p1 $0xC8, s15  }
0x22: {  	s16 =	sxor.u32 @!p1 $0xFFFFFFFF, s11;
	s17 =	smul.u32 @!p1 $0xC80, s10  }
0x23: {  	s31 =	sadd.s32 $0xFFFFFFFF, s11;
	s16 =	sshll.u32 @!p1 s16, $0xD;
	s14 =	ssub.s32 @!p1 s14, s15  }
0x24: {  	s15 =	sand.u32 @!p1 $0x2000, s16;
	s16 =	sadd.s32 @!p1 s6, s17;
	s14 =	sshll.u32 @!p1 s14, $0x4  }
0x25: {  	s17 =	simm.s32 @!p1 $0x6400;
	s14 =	sadd.s32 @!p1 s14, s16;
	s16 =	simm.s32 @!p1 $0x40  }
0x26: {  	[tilespmem:s15], [sflag:$0x1] =	stream.strided.gather @!p1 [hbm4b:s14+s16], $0x2000, s17, s16, $0x38;
	[tilespmem:$0x8080] =	vst v63  }
0x27: {  	p1 =	sge.u32 s31, s5  }
.Ltmp2:
0x28: {  	_ = 	snop;
	(pc) =	sbr.rel @p1 .LBB1_5-.Ltmp2, $1  }
0x29: {  	_ =	sdelay $0x3  }
0x2a: {  	s14 =	simm.s32 $0x1  }
0x2b: {  	_ =	swait.ge [sflag:s4], $0x2000;
	s14 =	simm.s32 @!p0 $0x0  }
0x2c: {  	[sflag:s4] =	ssyncset.done $0x0;
	s15 =	sshll.u32 s14, $0xD  }
0x2d: {  	[sflag:s4] =	ssyncadd.s32 $0xFFFFE000;
	s18 =	sor.u32 $0x20, s15  }
0x2e: {  	s14 =	smul.u32 $0x8100, s14;
	v3 =	vld [tilespmem:s18+$0x10]  }
0x2f: {  	s30 =	sand.u32 $0x1, s11;
	v2 =	vld [tilespmem:s18+$0xFFFFFFF0]  }
0x30: {  	s15 =	smul.u32 $0x8100, s30;
	s14 =	sshrl.u32 s14, $0x2;
	v0 =	vld [tilespmem:s18+$0x0]  }
0x31: {  	v1 =	vld [tilespmem:s18+$0xFFFFFFE0];
	s16 =	sor.u32 $0x4000, s14  }
0x32: {  	s31 =	sshrl.u32 s15, $0x2;
	s15 =	sadd.s32 $0x0, s16  }
0x33: {  	s17 =	simm.s32 $0x4;
	s18 =	sadd.s32 $0x40, s18;
	s14 =	sor.u32 $0x4000, s31;
	[tilespmem:s15+$0x1830 ss:$0x81] =	vst.msk $0xffff, v3  }
.LBB1_3:
0x34: {  	v3 =	vld [tilespmem:s18+$0x10];
	p1 =	sne.s32 s17, $0x1FC;
	[tilespmem:s15+$0x810 ss:$0x81] =	vst.msk $0xffff, v2;
	s19 =	smov.u32 s17;
	s17 =	sadd.s32 $0x4, s17  }
.Ltmp3:
0x35: {  	v2 =	vld [tilespmem:s18+$0xFFFFFFF0];
	[tilespmem:s15+$0x1020 ss:$0x81] =	vst.msk $0xffff, v0;
	(pc) =	sbr.rel @p1 .LBB1_3-.Ltmp3, $4  }
0x36: {  	v0 =	vld [tilespmem:s18+$0x0];
	[tilespmem:s15+$0x0 ss:$0x81] =	vst.msk $0xffff, v1  }
0x37: {  	s15 =	sshra.s32 s19, $0x2;
	v1 =	vld [tilespmem:s18+$0xFFFFFFE0]  }
0x38: {  	s15 =	sadd.s32 s15, s16  }
0x39: {  	s18 =	sadd.s32 $0x40, s18;
	[tilespmem:s15+$0x1830 ss:$0x81] =	vst.msk $0xffff, v3  }
.Ltmp4:
0x3a: {  	_ = 	snop;
	(pc) =	sbr.rel .LBB1_4-.Ltmp4, $1  }
0x3b: {  	_ =	sdelay $0x3  }
.LBB1_6:
0x3c: {  	_ =	sfence.sel $0x180000  }
0x3d: {  	s2 =	simm.s32 $0x1;
	[bflag:$0x0] =	sbarrier.arrive $0xFFFF  }
0x3e: {  	s31 =	simm.s32 $0x2;
	[sflag:s2] =	ssyncpa.u1 $0x1  }
0x3f: {  	[sflag:s31] =	ssyncpa.u1 $0x1  }
0x40: {  	p0 =	sne.s32 s0, $0x0;
	_ =	strace $0x9000004D  }
0x41: {  	s0 =	sadd.s32 @!p0 $0x100000, s1;
	[bflag:$0x2] =	sbarrier.arrive $0xFFFF  }
0x42: {  	[sflag:s0] =	ssyncadd.tile.s32 @!p0 $0x1;
	_ =	shalt  }
.Lfunc_end1:
_tile_overlayer_lowered:
.L_overlay_start_2:
0x43: {  	(tag) =	ssettag $0x2  }
0x44: {  	s0 =	rddreg [dreg:$0x0];
	s2 =	stileid.u32  }
0x45: {  	s1 =	rddreg [dreg:$0x1];
	p0 =	sne.s32 s2, $0x0  }
0x46: {  	s3 =	rddreg [dreg:$0x2];
	[bflag:$0x3] =	sbarrier.arrive $0xFFFF;
	s2 =	simm.s32 @!p0 $0x1C01  }
0x47: {  	[timem:s3], [sflag:s2] =	dma.local @!p0 [hbm:s0], s1  }
0x48: {  	s0 =	simm.s32 @!p0 $0x1  }
0x49: {  	_ =	swait.ge @!p0 [sflag:s0], s1  }
0x4a: {  	s1 =	ssub.s32 @!p0 $0x0, s1;
	[sflag:s0] =	ssyncset.done @!p0 $0x0  }
0x4b: {  	[sflag:s0] =	ssyncadd.s32 @!p0 s1  }
0x4c: {  	[bflag:$0x3] =	sbarrier.arrive $0xFFFF  }
0x4d: {  	_ =	shalt  }

</sc_bundles>
